<compile_context>
chip_gen: v7x
topology: tpu7x:2x2x1
jax: 0.10.2.dev20260603
libtpu: 0.0.44.dev20260713+nightly
codegen_flags: <defaults>
</compile_context>

<pallas_src>
import functools

import jax
import jax.numpy as jnp
from jax import lax
from jax.experimental import pallas as pl
from jax.experimental.pallas import tpu as pltpu
from jax.experimental.pallas import tpu_sc as plsc

D_MODEL = 64
N_TOKENS = 4096 * 200
NUM_CORES = 2
NUM_SUBCORES = 16
NUM_WORKERS = NUM_CORES * NUM_SUBCORES
ROWS_PER_WORKER = N_TOKENS // NUM_WORKERS
CHUNK = 400
NBUF = 4
STEPS = ROWS_PER_WORKER // CHUNK
GROUPS = STEPS // NBUF

_mesh = plsc.VectorSubcoreMesh(core_axis_name="c", subcore_axis_name="s")


@functools.partial(
    pl.kernel,
    mesh=_mesh,
    out_type=jax.ShapeDtypeStruct((N_TOKENS, D_MODEL), jnp.float32),
    compiler_params=pltpu.CompilerParams(use_tc_tiling_on_sc=False),
    scratch_types=[
        pltpu.VMEM((ROWS_PER_WORKER,), jnp.int32),
        pltpu.VMEM((NBUF, CHUNK, D_MODEL), jnp.float32),
    ]
    + [pltpu.SemaphoreType.DMA] * (2 * NBUF),
)
def _gather_kernel(idx_hbm, table_hbm, out_hbm, idx_v, rows_v, *sems):
    gsems = sems[:NBUF]
    ssems = sems[NBUF:]
    wid = lax.axis_index("s") * NUM_CORES + lax.axis_index("c")
    base = wid * ROWS_PER_WORKER

    pltpu.sync_copy(idx_hbm.at[pl.ds(base, ROWS_PER_WORKER)], idx_v)

    def idx_slice(g):
        return idx_v.at[pl.ds(g * CHUNK, CHUNK)]

    def gather_start(g, b):
        pltpu.async_copy(table_hbm.at[idx_slice(g)], rows_v.at[b], gsems[b])

    def gather_wait(g, b):
        pltpu.make_async_copy(table_hbm.at[idx_slice(g)], rows_v.at[b],
                              gsems[b]).wait()

    def out_slice(g):
        return out_hbm.at[pl.ds(base + g * CHUNK, CHUNK)]

    def store_start(g, b):
        pltpu.async_copy(rows_v.at[b], out_slice(g), ssems[b])

    def store_wait(g, b):
        pltpu.make_async_copy(rows_v.at[b], out_slice(g), ssems[b]).wait()

    for k in range(NBUF - 1):
        gather_start(k, k)
    gather_start(NBUF - 1, NBUF - 1)
    gather_wait(0, 0)
    store_start(0, 0)
    for g in range(1, NBUF):
        store_wait(g - 1, g - 1)
        gather_start(g + NBUF - 1, (g + NBUF - 1) % NBUF)
        gather_wait(g, g)
        store_start(g, g)

    def body(i, carry):
        for b in range(NBUF):
            g = i * NBUF + b
            store_wait(g - 1, (b - 1) % NBUF)
            gather_start(g + NBUF - 1, (b - 1) % NBUF)
            gather_wait(g, b)
            store_start(g, b)
        return carry

    lax.fori_loop(1, GROUPS - 1, body, 0)

    for b in range(NBUF):
        g = (GROUPS - 1) * NBUF + b
        if g + NBUF - 1 < STEPS:
            store_wait(g - 1, (g - 1) % NBUF)
            gather_start(g + NBUF - 1, (g + NBUF - 1) % NBUF)
        gather_wait(g, b)
        store_start(g, b)
    for b in range(NBUF):
        g = (GROUPS - 1) * NBUF + b
        store_wait(g, b)


def kernel(x, table):
    flat = x.reshape(-1).astype(jnp.int32)
    out = _gather_kernel(flat, table)
    return out.reshape(x.shape + (table.shape[1],))

# --- scband reference (transcript-rebuilt; emitter-appended) ---
"""Pipeline reference for scband-text-encoder-77721728189138 (READ-ONLY COPY).

The authoritative reference and input builder live on the scoring server;
editing this copy changes nothing except your own understanding.
"""

import jax, jax.numpy as jnp
import numpy as np

VOCAB = 1000000
D_MODEL = 64

def setup_inputs(seed: int = 0) -> dict:
    key = jax.random.key(seed)
    k_idx, k_tab = jax.random.split(key)
    x = jax.random.randint(k_idx, (4096, 200), 0, VOCAB, dtype=jnp.int64 if jax.config.read('jax_enable_x64') else jnp.int32)
    table = jax.random.normal(k_tab, (VOCAB, D_MODEL), dtype=jnp.float32)
    # padding_idx=0: torch zero-initializes and keeps row 0 at zero
    table = table.at[0].set(0.0)
    return {"x": x, "table": table}

def reference(x, table):
    # nn.Embedding with padding_idx=0: row 0 is always zero
    table = table.at[0].set(0.0)
    return jnp.take(table, x, axis=0)

if __name__ == "__main__":
    import jax
    _d = setup_inputs()
    print(jax.jit(kernel)(*tuple(_d.values())))

</pallas_src>

<mosaic_0001>
#map = affine_map<(d0, d1) -> (0)>
#map1 = affine_map<(d0, d1) -> (0, 0)>
module attributes {stable_mosaic.version = 14 : i64} {
  func.func @_gather_kernel(%arg0: i32, %arg1: i32, %arg2: memref<819200xi32, #tpu.memory_space<hbm>>, %arg3: memref<1000000x64xf32, #tpu.memory_space<hbm>>, %arg4: memref<819200x64xf32, #tpu.memory_space<hbm>>, %arg5: memref<25600xi32, #tpu.memory_space<vmem>>, %arg6: memref<4x400x64xf32, #tpu.memory_space<vmem>>, %arg7: memref<!tpu.dma_semaphore, #tpu.memory_space<semaphore_mem>>, %arg8: memref<!tpu.dma_semaphore, #tpu.memory_space<semaphore_mem>>, %arg9: memref<!tpu.dma_semaphore, #tpu.memory_space<semaphore_mem>>, %arg10: memref<!tpu.dma_semaphore, #tpu.memory_space<semaphore_mem>>, %arg11: memref<!tpu.dma_semaphore, #tpu.memory_space<semaphore_mem>>, %arg12: memref<!tpu.dma_semaphore, #tpu.memory_space<semaphore_mem>>, %arg13: memref<!tpu.dma_semaphore, #tpu.memory_space<semaphore_mem>>, %arg14: memref<!tpu.dma_semaphore, #tpu.memory_space<semaphore_mem>>) attributes {dimension_semantics = [#tpu.dimension_semantics<core_parallel>, #tpu.dimension_semantics<subcore_parallel>], iteration_bounds = array<i64: 2, 16>, scalar_prefetch = 0 : i64, scratch_operands = 10 : i64, tpu.core_type = #tpu.core_type<sc_vector_subcore>, window_params = [{transform_indices = #map}, {transform_indices = #map1}, {transform_indices = #map1}]} {
    %mul3A = arith.constant 2 : i32
    %mul3A_0 = arith.muli %arg1, %mul3A : i32
    %add3A = arith.addi %mul3A_0, %arg0 : i32
    %mul3A_1 = arith.constant 25600 : i32
    %mul3A_2 = arith.muli %add3A, %mul3A_1 : i32
    "tpu.region"() ({
      %run_scoped3A = tpu.sem_alloc : memref<!tpu.dma_semaphore, #tpu.memory_space<semaphore_mem>>
      %dma_start3A_406 = tpu.memref_slice %arg2[%mul3A_2] : memref<819200xi32, #tpu.memory_space<hbm>> -> memref<25600xi32, #tpu.memory_space<hbm>>
      %dma_start3A_407 = tpu.memref_slice %arg2[%mul3A_2] : memref<819200xi32, #tpu.memory_space<hbm>> -> memref<25600xi32, #tpu.memory_space<hbm>>
      tpu.enqueue_dma source(%dma_start3A_407 : memref<25600xi32, #tpu.memory_space<hbm>>) target(%arg5 : memref<25600xi32, #tpu.memory_space<vmem>>) target_semaphore(%run_scoped3A : memref<!tpu.dma_semaphore, #tpu.memory_space<semaphore_mem>>)
      %dma_wait3A_408 = tpu.memref_slice %arg2[%mul3A_2] : memref<819200xi32, #tpu.memory_space<hbm>> -> memref<25600xi32, #tpu.memory_space<hbm>>
      %dma_wait3A_409 = tpu.memref_slice %arg2[%mul3A_2] : memref<819200xi32, #tpu.memory_space<hbm>> -> memref<25600xi32, #tpu.memory_space<hbm>>
      tpu.wait_dma2 semaphore(%run_scoped3A : memref<!tpu.dma_semaphore, #tpu.memory_space<semaphore_mem>>) src(%dma_wait3A_409 : memref<25600xi32, #tpu.memory_space<hbm>>) dst(%arg5 : memref<25600xi32, #tpu.memory_space<vmem>>)
      tpu.yield
    }) : () -> ()
    %dma_start3A = arith.constant 0 : i32
    %dma_start3A_3 = arith.constant 0 : i32
    %dma_start3A_4 = arith.constant 0 : i32
    %dma_start3A_5 = tpu.memref_slice %arg6[%dma_start3A, %dma_start3A_3, %dma_start3A_4] : memref<4x400x64xf32, #tpu.memory_space<vmem>> -> memref<1x400x64xf32, #tpu.memory_space<vmem>>
    %dma_start3A_6 = tpu.memref_squeeze %dma_start3A_5 : memref<1x400x64xf32, #tpu.memory_space<vmem>> -> memref<400x64xf32, #tpu.memory_space<vmem>>
    %dma_start3A_7 = arith.constant 0 : i32
    %dma_start3A_8 = tpu.memref_slice %arg5[%dma_start3A_7] : memref<25600xi32, #tpu.memory_space<vmem>> -> memref<400xi32, #tpu.memory_space<vmem>>
    %dma_start3A_9 = arith.constant 0 : i32
    %dma_start3A_10 = arith.constant 0 : i32
    %dma_start3A_11 = tpu.memref_slice %arg3[%dma_start3A_9, %dma_start3A_10] : memref<1000000x64xf32, #tpu.memory_space<hbm>> -> memref<1000000x64xf32, #tpu.memory_space<hbm>>
    tpu.enqueue_indirect_dma source(%dma_start3A_11 : memref<1000000x64xf32, #tpu.memory_space<hbm>>) target(%dma_start3A_6 : memref<400x64xf32, #tpu.memory_space<vmem>>) offsets(%dma_start3A_8 : memref<400xi32, #tpu.memory_space<vmem>>) semaphore(%arg7 : memref<!tpu.dma_semaphore, #tpu.memory_space<semaphore_mem>>)
    %dma_start3A_12 = arith.constant 1 : i32
    %dma_start3A_13 = arith.constant 0 : i32
    %dma_start3A_14 = arith.constant 0 : i32
    %dma_start3A_15 = tpu.memref_slice %arg6[%dma_start3A_12, %dma_start3A_13, %dma_start3A_14] : memref<4x400x64xf32, #tpu.memory_space<vmem>> -> memref<1x400x64xf32, #tpu.memory_space<vmem>>
    %dma_start3A_16 = tpu.memref_squeeze %dma_start3A_15 : memref<1x400x64xf32, #tpu.memory_space<vmem>> -> memref<400x64xf32, #tpu.memory_space<vmem>>
    %dma_start3A_17 = arith.constant 400 : i32
    %dma_start3A_18 = tpu.memref_slice %arg5[%dma_start3A_17] : memref<25600xi32, #tpu.memory_space<vmem>> -> memref<400xi32, #tpu.memory_space<vmem>>
    %dma_start3A_19 = arith.constant 0 : i32
    %dma_start3A_20 = arith.constant 0 : i32
    %dma_start3A_21 = tpu.memref_slice %arg3[%dma_start3A_19, %dma_start3A_20] : memref<1000000x64xf32, #tpu.memory_space<hbm>> -> memref<1000000x64xf32, #tpu.memory_space<hbm>>
    tpu.enqueue_indirect_dma source(%dma_start3A_21 : memref<1000000x64xf32, #tpu.memory_space<hbm>>) target(%dma_start3A_16 : memref<400x64xf32, #tpu.memory_space<vmem>>) offsets(%dma_start3A_18 : memref<400xi32, #tpu.memory_space<vmem>>) semaphore(%arg8 : memref<!tpu.dma_semaphore, #tpu.memory_space<semaphore_mem>>)
    %dma_start3A_22 = arith.constant 2 : i32
    %dma_start3A_23 = arith.constant 0 : i32
    %dma_start3A_24 = arith.constant 0 : i32
    %dma_start3A_25 = tpu.memref_slice %arg6[%dma_start3A_22, %dma_start3A_23, %dma_start3A_24] : memref<4x400x64xf32, #tpu.memory_space<vmem>> -> memref<1x400x64xf32, #tpu.memory_space<vmem>>
    %dma_start3A_26 = tpu.memref_squeeze %dma_start3A_25 : memref<1x400x64xf32, #tpu.memory_space<vmem>> -> memref<400x64xf32, #tpu.memory_space<vmem>>
    %dma_start3A_27 = arith.constant 800 : i32
    %dma_start3A_28 = tpu.memref_slice %arg5[%dma_start3A_27] : memref<25600xi32, #tpu.memory_space<vmem>> -> memref<400xi32, #tpu.memory_space<vmem>>
    %dma_start3A_29 = arith.constant 0 : i32
    %dma_start3A_30 = arith.constant 0 : i32
    %dma_start3A_31 = tpu.memref_slice %arg3[%dma_start3A_29, %dma_start3A_30] : memref<1000000x64xf32, #tpu.memory_space<hbm>> -> memref<1000000x64xf32, #tpu.memory_space<hbm>>
    tpu.enqueue_indirect_dma source(%dma_start3A_31 : memref<1000000x64xf32, #tpu.memory_space<hbm>>) target(%dma_start3A_26 : memref<400x64xf32, #tpu.memory_space<vmem>>) offsets(%dma_start3A_28 : memref<400xi32, #tpu.memory_space<vmem>>) semaphore(%arg9 : memref<!tpu.dma_semaphore, #tpu.memory_space<semaphore_mem>>)
    %dma_start3A_32 = arith.constant 3 : i32
    %dma_start3A_33 = arith.constant 0 : i32
    %dma_start3A_34 = arith.constant 0 : i32
    %dma_start3A_35 = tpu.memref_slice %arg6[%dma_start3A_32, %dma_start3A_33, %dma_start3A_34] : memref<4x400x64xf32, #tpu.memory_space<vmem>> -> memref<1x400x64xf32, #tpu.memory_space<vmem>>
    %dma_start3A_36 = tpu.memref_squeeze %dma_start3A_35 : memref<1x400x64xf32, #tpu.memory_space<vmem>> -> memref<400x64xf32, #tpu.memory_space<vmem>>
    %dma_start3A_37 = arith.constant 1200 : i32
    %dma_start3A_38 = tpu.memref_slice %arg5[%dma_start3A_37] : memref<25600xi32, #tpu.memory_space<vmem>> -> memref<400xi32, #tpu.memory_space<vmem>>
    %dma_start3A_39 = arith.constant 0 : i32
    %dma_start3A_40 = arith.constant 0 : i32
    %dma_start3A_41 = tpu.memref_slice %arg3[%dma_start3A_39, %dma_start3A_40] : memref<1000000x64xf32, #tpu.memory_space<hbm>> -> memref<1000000x64xf32, #tpu.memory_space<hbm>>
    tpu.enqueue_indirect_dma source(%dma_start3A_41 : memref<1000000x64xf32, #tpu.memory_space<hbm>>) target(%dma_start3A_36 : memref<400x64xf32, #tpu.memory_space<vmem>>) offsets(%dma_start3A_38 : memref<400xi32, #tpu.memory_space<vmem>>) semaphore(%arg10 : memref<!tpu.dma_semaphore, #tpu.memory_space<semaphore_mem>>)
    %dma_wait3A = arith.constant 0 : i32
    %dma_wait3A_42 = arith.constant 0 : i32
    %dma_wait3A_43 = arith.constant 0 : i32
    %dma_wait3A_44 = tpu.memref_slice %arg6[%dma_wait3A, %dma_wait3A_42, %dma_wait3A_43] : memref<4x400x64xf32, #tpu.memory_space<vmem>> -> memref<1x400x64xf32, #tpu.memory_space<vmem>>
    %dma_wait3A_45 = tpu.memref_squeeze %dma_wait3A_44 : memref<1x400x64xf32, #tpu.memory_space<vmem>> -> memref<400x64xf32, #tpu.memory_space<vmem>>
    %dma_wait3A_46 = arith.constant 0 : i32
    %dma_wait3A_47 = tpu.memref_slice %arg5[%dma_wait3A_46] : memref<25600xi32, #tpu.memory_space<vmem>> -> memref<400xi32, #tpu.memory_space<vmem>>
    %dma_wait3A_48 = arith.constant 0 : i32
    %dma_wait3A_49 = arith.constant 0 : i32
    %dma_wait3A_50 = tpu.memref_slice %arg3[%dma_wait3A_48, %dma_wait3A_49] : memref<1000000x64xf32, #tpu.memory_space<hbm>> -> memref<1000000x64xf32, #tpu.memory_space<hbm>>
    tpu.wait_indirect_dma semaphore(%arg7 : memref<!tpu.dma_semaphore, #tpu.memory_space<semaphore_mem>>) src(%dma_wait3A_50 : memref<1000000x64xf32, #tpu.memory_space<hbm>>) dst(%dma_wait3A_45 : memref<400x64xf32, #tpu.memory_space<vmem>>)
    %add3A_51 = arith.constant 0 : i32
    %add3A_52 = arith.addi %mul3A_2, %add3A_51 : i32
    %dma_start3A_53 = arith.constant 0 : i32
    %dma_start3A_54 = arith.constant 0 : i32
    %dma_start3A_55 = arith.constant 0 : i32
    %dma_start3A_56 = tpu.memref_slice %arg6[%dma_start3A_53, %dma_start3A_54, %dma_start3A_55] : memref<4x400x64xf32, #tpu.memory_space<vmem>> -> memref<1x400x64xf32, #tpu.memory_space<vmem>>
    %dma_start3A_57 = tpu.memref_squeeze %dma_start3A_56 : memref<1x400x64xf32, #tpu.memory_space<vmem>> -> memref<400x64xf32, #tpu.memory_space<vmem>>
    %dma_start3A_58 = arith.constant 0 : i32
    %dma_start3A_59 = tpu.memref_slice %arg4[%add3A_52, %dma_start3A_58] : memref<819200x64xf32, #tpu.memory_space<hbm>> -> memref<400x64xf32, #tpu.memory_space<hbm>>
    %dma_start3A_60 = arith.constant 0 : i32
    %dma_start3A_61 = tpu.memref_slice %arg4[%add3A_52, %dma_start3A_60] : memref<819200x64xf32, #tpu.memory_space<hbm>> -> memref<400x64xf32, #tpu.memory_space<hbm>>
    %dma_start3A_62 = arith.constant 0 : i32
    %dma_start3A_63 = arith.constant 0 : i32
    %dma_start3A_64 = tpu.memref_slice %arg6[%dma_start3A_53, %dma_start3A_62, %dma_start3A_63] : memref<4x400x64xf32, #tpu.memory_space<vmem>> -> memref<1x400x64xf32, #tpu.memory_space<vmem>>
    %dma_start3A_65 = tpu.memref_squeeze %dma_start3A_64 : memref<1x400x64xf32, #tpu.memory_space<vmem>> -> memref<400x64xf32, #tpu.memory_space<vmem>>
    tpu.enqueue_dma source(%dma_start3A_65 : memref<400x64xf32, #tpu.memory_space<vmem>>) target(%dma_start3A_61 : memref<400x64xf32, #tpu.memory_space<hbm>>) target_semaphore(%arg11 : memref<!tpu.dma_semaphore, #tpu.memory_space<semaphore_mem>>)
    %add3A_66 = arith.constant 0 : i32
    %add3A_67 = arith.addi %mul3A_2, %add3A_66 : i32
    %dma_wait3A_68 = arith.constant 0 : i32
    %dma_wait3A_69 = arith.constant 0 : i32
    %dma_wait3A_70 = arith.constant 0 : i32
    %dma_wait3A_71 = tpu.memref_slice %arg6[%dma_wait3A_68, %dma_wait3A_69, %dma_wait3A_70] : memref<4x400x64xf32, #tpu.memory_space<vmem>> -> memref<1x400x64xf32, #tpu.memory_space<vmem>>
    %dma_wait3A_72 = tpu.memref_squeeze %dma_wait3A_71 : memref<1x400x64xf32, #tpu.memory_space<vmem>> -> memref<400x64xf32, #tpu.memory_space<vmem>>
    %dma_wait3A_73 = arith.constant 0 : i32
    %dma_wait3A_74 = tpu.memref_slice %arg4[%add3A_67, %dma_wait3A_73] : memref<819200x64xf32, #tpu.memory_space<hbm>> -> memref<400x64xf32, #tpu.memory_space<hbm>>
    %dma_wait3A_75 = arith.constant 0 : i32
    %dma_wait3A_76 = tpu.memref_slice %arg4[%add3A_67, %dma_wait3A_75] : memref<819200x64xf32, #tpu.memory_space<hbm>> -> memref<400x64xf32, #tpu.memory_space<hbm>>
    %dma_wait3A_77 = arith.constant 0 : i32
    %dma_wait3A_78 = arith.constant 0 : i32
    %dma_wait3A_79 = tpu.memref_slice %arg6[%dma_wait3A_68, %dma_wait3A_77, %dma_wait3A_78] : memref<4x400x64xf32, #tpu.memory_space<vmem>> -> memref<1x400x64xf32, #tpu.memory_space<vmem>>
    %dma_wait3A_80 = tpu.memref_squeeze %dma_wait3A_79 : memref<1x400x64xf32, #tpu.memory_space<vmem>> -> memref<400x64xf32, #tpu.memory_space<vmem>>
    tpu.wait_dma2 semaphore(%arg11 : memref<!tpu.dma_semaphore, #tpu.memory_space<semaphore_mem>>) src(%dma_wait3A_80 : memref<400x64xf32, #tpu.memory_space<vmem>>) dst(%dma_wait3A_76 : memref<400x64xf32, #tpu.memory_space<hbm>>)
    %dma_start3A_81 = arith.constant 0 : i32
    %dma_start3A_82 = arith.constant 0 : i32
    %dma_start3A_83 = arith.constant 0 : i32
    %dma_start3A_84 = tpu.memref_slice %arg6[%dma_start3A_81, %dma_start3A_82, %dma_start3A_83] : memref<4x400x64xf32, #tpu.memory_space<vmem>> -> memref<1x400x64xf32, #tpu.memory_space<vmem>>
    %dma_start3A_85 = tpu.memref_squeeze %dma_start3A_84 : memref<1x400x64xf32, #tpu.memory_space<vmem>> -> memref<400x64xf32, #tpu.memory_space<vmem>>
    %dma_start3A_86 = arith.constant 1600 : i32
    %dma_start3A_87 = tpu.memref_slice %arg5[%dma_start3A_86] : memref<25600xi32, #tpu.memory_space<vmem>> -> memref<400xi32, #tpu.memory_space<vmem>>
    %dma_start3A_88 = arith.constant 0 : i32
    %dma_start3A_89 = arith.constant 0 : i32
    %dma_start3A_90 = tpu.memref_slice %arg3[%dma_start3A_88, %dma_start3A_89] : memref<1000000x64xf32, #tpu.memory_space<hbm>> -> memref<1000000x64xf32, #tpu.memory_space<hbm>>
    tpu.enqueue_indirect_dma source(%dma_start3A_90 : memref<1000000x64xf32, #tpu.memory_space<hbm>>) target(%dma_start3A_85 : memref<400x64xf32, #tpu.memory_space<vmem>>) offsets(%dma_start3A_87 : memref<400xi32, #tpu.memory_space<vmem>>) semaphore(%arg7 : memref<!tpu.dma_semaphore, #tpu.memory_space<semaphore_mem>>)
    %dma_wait3A_91 = arith.constant 1 : i32
    %dma_wait3A_92 = arith.constant 0 : i32
    %dma_wait3A_93 = arith.constant 0 : i32
    %dma_wait3A_94 = tpu.memref_slice %arg6[%dma_wait3A_91, %dma_wait3A_92, %dma_wait3A_93] : memref<4x400x64xf32, #tpu.memory_space<vmem>> -> memref<1x400x64xf32, #tpu.memory_space<vmem>>
    %dma_wait3A_95 = tpu.memref_squeeze %dma_wait3A_94 : memref<1x400x64xf32, #tpu.memory_space<vmem>> -> memref<400x64xf32, #tpu.memory_space<vmem>>
    %dma_wait3A_96 = arith.constant 400 : i32
    %dma_wait3A_97 = tpu.memref_slice %arg5[%dma_wait3A_96] : memref<25600xi32, #tpu.memory_space<vmem>> -> memref<400xi32, #tpu.memory_space<vmem>>
    %dma_wait3A_98 = arith.constant 0 : i32
    %dma_wait3A_99 = arith.constant 0 : i32
    %dma_wait3A_100 = tpu.memref_slice %arg3[%dma_wait3A_98, %dma_wait3A_99] : memref<1000000x64xf32, #tpu.memory_space<hbm>> -> memref<1000000x64xf32, #tpu.memory_space<hbm>>
    tpu.wait_indirect_dma semaphore(%arg8 : memref<!tpu.dma_semaphore, #tpu.memory_space<semaphore_mem>>) src(%dma_wait3A_100 : memref<1000000x64xf32, #tpu.memory_space<hbm>>) dst(%dma_wait3A_95 : memref<400x64xf32, #tpu.memory_space<vmem>>)
    %add3A_101 = arith.constant 400 : i32
    %add3A_102 = arith.addi %mul3A_2, %add3A_101 : i32
    %dma_start3A_103 = arith.constant 1 : i32
    %dma_start3A_104 = arith.constant 0 : i32
    %dma_start3A_105 = arith.constant 0 : i32
    %dma_start3A_106 = tpu.memref_slice %arg6[%dma_start3A_103, %dma_start3A_104, %dma_start3A_105] : memref<4x400x64xf32, #tpu.memory_space<vmem>> -> memref<1x400x64xf32, #tpu.memory_space<vmem>>
    %dma_start3A_107 = tpu.memref_squeeze %dma_start3A_106 : memref<1x400x64xf32, #tpu.memory_space<vmem>> -> memref<400x64xf32, #tpu.memory_space<vmem>>
    %dma_start3A_108 = arith.constant 0 : i32
    %dma_start3A_109 = tpu.memref_slice %arg4[%add3A_102, %dma_start3A_108] : memref<819200x64xf32, #tpu.memory_space<hbm>> -> memref<400x64xf32, #tpu.memory_space<hbm>>
    %dma_start3A_110 = arith.constant 0 : i32
    %dma_start3A_111 = tpu.memref_slice %arg4[%add3A_102, %dma_start3A_110] : memref<819200x64xf32, #tpu.memory_space<hbm>> -> memref<400x64xf32, #tpu.memory_space<hbm>>
    %dma_start3A_112 = arith.constant 0 : i32
    %dma_start3A_113 = arith.constant 0 : i32
    %dma_start3A_114 = tpu.memref_slice %arg6[%dma_start3A_103, %dma_start3A_112, %dma_start3A_113] : memref<4x400x64xf32, #tpu.memory_space<vmem>> -> memref<1x400x64xf32, #tpu.memory_space<vmem>>
    %dma_start3A_115 = tpu.memref_squeeze %dma_start3A_114 : memref<1x400x64xf32, #tpu.memory_space<vmem>> -> memref<400x64xf32, #tpu.memory_space<vmem>>
    tpu.enqueue_dma source(%dma_start3A_115 : memref<400x64xf32, #tpu.memory_space<vmem>>) target(%dma_start3A_111 : memref<400x64xf32, #tpu.memory_space<hbm>>) target_semaphore(%arg12 : memref<!tpu.dma_semaphore, #tpu.memory_space<semaphore_mem>>)
    %add3A_116 = arith.constant 400 : i32
    %add3A_117 = arith.addi %mul3A_2, %add3A_116 : i32
    %dma_wait3A_118 = arith.constant 1 : i32
    %dma_wait3A_119 = arith.constant 0 : i32
    %dma_wait3A_120 = arith.constant 0 : i32
    %dma_wait3A_121 = tpu.memref_slice %arg6[%dma_wait3A_118, %dma_wait3A_119, %dma_wait3A_120] : memref<4x400x64xf32, #tpu.memory_space<vmem>> -> memref<1x400x64xf32, #tpu.memory_space<vmem>>
    %dma_wait3A_122 = tpu.memref_squeeze %dma_wait3A_121 : memref<1x400x64xf32, #tpu.memory_space<vmem>> -> memref<400x64xf32, #tpu.memory_space<vmem>>
    %dma_wait3A_123 = arith.constant 0 : i32
    %dma_wait3A_124 = tpu.memref_slice %arg4[%add3A_117, %dma_wait3A_123] : memref<819200x64xf32, #tpu.memory_space<hbm>> -> memref<400x64xf32, #tpu.memory_space<hbm>>
    %dma_wait3A_125 = arith.constant 0 : i32
    %dma_wait3A_126 = tpu.memref_slice %arg4[%add3A_117, %dma_wait3A_125] : memref<819200x64xf32, #tpu.memory_space<hbm>> -> memref<400x64xf32, #tpu.memory_space<hbm>>
    %dma_wait3A_127 = arith.constant 0 : i32
    %dma_wait3A_128 = arith.constant 0 : i32
    %dma_wait3A_129 = tpu.memref_slice %arg6[%dma_wait3A_118, %dma_wait3A_127, %dma_wait3A_128] : memref<4x400x64xf32, #tpu.memory_space<vmem>> -> memref<1x400x64xf32, #tpu.memory_space<vmem>>
    %dma_wait3A_130 = tpu.memref_squeeze %dma_wait3A_129 : memref<1x400x64xf32, #tpu.memory_space<vmem>> -> memref<400x64xf32, #tpu.memory_space<vmem>>
    tpu.wait_dma2 semaphore(%arg12 : memref<!tpu.dma_semaphore, #tpu.memory_space<semaphore_mem>>) src(%dma_wait3A_130 : memref<400x64xf32, #tpu.memory_space<vmem>>) dst(%dma_wait3A_126 : memref<400x64xf32, #tpu.memory_space<hbm>>)
    %dma_start3A_131 = arith.constant 1 : i32
    %dma_start3A_132 = arith.constant 0 : i32
    %dma_start3A_133 = arith.constant 0 : i32
    %dma_start3A_134 = tpu.memref_slice %arg6[%dma_start3A_131, %dma_start3A_132, %dma_start3A_133] : memref<4x400x64xf32, #tpu.memory_space<vmem>> -> memref<1x400x64xf32, #tpu.memory_space<vmem>>
    %dma_start3A_135 = tpu.memref_squeeze %dma_start3A_134 : memref<1x400x64xf32, #tpu.memory_space<vmem>> -> memref<400x64xf32, #tpu.memory_space<vmem>>
    %dma_start3A_136 = arith.constant 2000 : i32
    %dma_start3A_137 = tpu.memref_slice %arg5[%dma_start3A_136] : memref<25600xi32, #tpu.memory_space<vmem>> -> memref<400xi32, #tpu.memory_space<vmem>>
    %dma_start3A_138 = arith.constant 0 : i32
    %dma_start3A_139 = arith.constant 0 : i32
    %dma_start3A_140 = tpu.memref_slice %arg3[%dma_start3A_138, %dma_start3A_139] : memref<1000000x64xf32, #tpu.memory_space<hbm>> -> memref<1000000x64xf32, #tpu.memory_space<hbm>>
    tpu.enqueue_indirect_dma source(%dma_start3A_140 : memref<1000000x64xf32, #tpu.memory_space<hbm>>) target(%dma_start3A_135 : memref<400x64xf32, #tpu.memory_space<vmem>>) offsets(%dma_start3A_137 : memref<400xi32, #tpu.memory_space<vmem>>) semaphore(%arg8 : memref<!tpu.dma_semaphore, #tpu.memory_space<semaphore_mem>>)
    %dma_wait3A_141 = arith.constant 2 : i32
    %dma_wait3A_142 = arith.constant 0 : i32
    %dma_wait3A_143 = arith.constant 0 : i32
    %dma_wait3A_144 = tpu.memref_slice %arg6[%dma_wait3A_141, %dma_wait3A_142, %dma_wait3A_143] : memref<4x400x64xf32, #tpu.memory_space<vmem>> -> memref<1x400x64xf32, #tpu.memory_space<vmem>>
    %dma_wait3A_145 = tpu.memref_squeeze %dma_wait3A_144 : memref<1x400x64xf32, #tpu.memory_space<vmem>> -> memref<400x64xf32, #tpu.memory_space<vmem>>
    %dma_wait3A_146 = arith.constant 800 : i32
    %dma_wait3A_147 = tpu.memref_slice %arg5[%dma_wait3A_146] : memref<25600xi32, #tpu.memory_space<vmem>> -> memref<400xi32, #tpu.memory_space<vmem>>
    %dma_wait3A_148 = arith.constant 0 : i32
    %dma_wait3A_149 = arith.constant 0 : i32
    %dma_wait3A_150 = tpu.memref_slice %arg3[%dma_wait3A_148, %dma_wait3A_149] : memref<1000000x64xf32, #tpu.memory_space<hbm>> -> memref<1000000x64xf32, #tpu.memory_space<hbm>>
    tpu.wait_indirect_dma semaphore(%arg9 : memref<!tpu.dma_semaphore, #tpu.memory_space<semaphore_mem>>) src(%dma_wait3A_150 : memref<1000000x64xf32, #tpu.memory_space<hbm>>) dst(%dma_wait3A_145 : memref<400x64xf32, #tpu.memory_space<vmem>>)
    %add3A_151 = arith.constant 800 : i32
    %add3A_152 = arith.addi %mul3A_2, %add3A_151 : i32
    %dma_start3A_153 = arith.constant 2 : i32
    %dma_start3A_154 = arith.constant 0 : i32
    %dma_start3A_155 = arith.constant 0 : i32
    %dma_start3A_156 = tpu.memref_slice %arg6[%dma_start3A_153, %dma_start3A_154, %dma_start3A_155] : memref<4x400x64xf32, #tpu.memory_space<vmem>> -> memref<1x400x64xf32, #tpu.memory_space<vmem>>
    %dma_start3A_157 = tpu.memref_squeeze %dma_start3A_156 : memref<1x400x64xf32, #tpu.memory_space<vmem>> -> memref<400x64xf32, #tpu.memory_space<vmem>>
    %dma_start3A_158 = arith.constant 0 : i32
    %dma_start3A_159 = tpu.memref_slice %arg4[%add3A_152, %dma_start3A_158] : memref<819200x64xf32, #tpu.memory_space<hbm>> -> memref<400x64xf32, #tpu.memory_space<hbm>>
    %dma_start3A_160 = arith.constant 0 : i32
    %dma_start3A_161 = tpu.memref_slice %arg4[%add3A_152, %dma_start3A_160] : memref<819200x64xf32, #tpu.memory_space<hbm>> -> memref<400x64xf32, #tpu.memory_space<hbm>>
    %dma_start3A_162 = arith.constant 0 : i32
    %dma_start3A_163 = arith.constant 0 : i32
    %dma_start3A_164 = tpu.memref_slice %arg6[%dma_start3A_153, %dma_start3A_162, %dma_start3A_163] : memref<4x400x64xf32, #tpu.memory_space<vmem>> -> memref<1x400x64xf32, #tpu.memory_space<vmem>>
    %dma_start3A_165 = tpu.memref_squeeze %dma_start3A_164 : memref<1x400x64xf32, #tpu.memory_space<vmem>> -> memref<400x64xf32, #tpu.memory_space<vmem>>
    tpu.enqueue_dma source(%dma_start3A_165 : memref<400x64xf32, #tpu.memory_space<vmem>>) target(%dma_start3A_161 : memref<400x64xf32, #tpu.memory_space<hbm>>) target_semaphore(%arg13 : memref<!tpu.dma_semaphore, #tpu.memory_space<semaphore_mem>>)
    %add3A_166 = arith.constant 800 : i32
    %add3A_167 = arith.addi %mul3A_2, %add3A_166 : i32
    %dma_wait3A_168 = arith.constant 2 : i32
    %dma_wait3A_169 = arith.constant 0 : i32
    %dma_wait3A_170 = arith.constant 0 : i32
    %dma_wait3A_171 = tpu.memref_slice %arg6[%dma_wait3A_168, %dma_wait3A_169, %dma_wait3A_170] : memref<4x400x64xf32, #tpu.memory_space<vmem>> -> memref<1x400x64xf32, #tpu.memory_space<vmem>>
    %dma_wait3A_172 = tpu.memref_squeeze %dma_wait3A_171 : memref<1x400x64xf32, #tpu.memory_space<vmem>> -> memref<400x64xf32, #tpu.memory_space<vmem>>
    %dma_wait3A_173 = arith.constant 0 : i32
    %dma_wait3A_174 = tpu.memref_slice %arg4[%add3A_167, %dma_wait3A_173] : memref<819200x64xf32, #tpu.memory_space<hbm>> -> memref<400x64xf32, #tpu.memory_space<hbm>>
    %dma_wait3A_175 = arith.constant 0 : i32
    %dma_wait3A_176 = tpu.memref_slice %arg4[%add3A_167, %dma_wait3A_175] : memref<819200x64xf32, #tpu.memory_space<hbm>> -> memref<400x64xf32, #tpu.memory_space<hbm>>
    %dma_wait3A_177 = arith.constant 0 : i32
    %dma_wait3A_178 = arith.constant 0 : i32
    %dma_wait3A_179 = tpu.memref_slice %arg6[%dma_wait3A_168, %dma_wait3A_177, %dma_wait3A_178] : memref<4x400x64xf32, #tpu.memory_space<vmem>> -> memref<1x400x64xf32, #tpu.memory_space<vmem>>
    %dma_wait3A_180 = tpu.memref_squeeze %dma_wait3A_179 : memref<1x400x64xf32, #tpu.memory_space<vmem>> -> memref<400x64xf32, #tpu.memory_space<vmem>>
    tpu.wait_dma2 semaphore(%arg13 : memref<!tpu.dma_semaphore, #tpu.memory_space<semaphore_mem>>) src(%dma_wait3A_180 : memref<400x64xf32, #tpu.memory_space<vmem>>) dst(%dma_wait3A_176 : memref<400x64xf32, #tpu.memory_space<hbm>>)
    %dma_start3A_181 = arith.constant 2 : i32
    %dma_start3A_182 = arith.constant 0 : i32
    %dma_start3A_183 = arith.constant 0 : i32
    %dma_start3A_184 = tpu.memref_slice %arg6[%dma_start3A_181, %dma_start3A_182, %dma_start3A_183] : memref<4x400x64xf32, #tpu.memory_space<vmem>> -> memref<1x400x64xf32, #tpu.memory_space<vmem>>
    %dma_start3A_185 = tpu.memref_squeeze %dma_start3A_184 : memref<1x400x64xf32, #tpu.memory_space<vmem>> -> memref<400x64xf32, #tpu.memory_space<vmem>>
    %dma_start3A_186 = arith.constant 2400 : i32
    %dma_start3A_187 = tpu.memref_slice %arg5[%dma_start3A_186] : memref<25600xi32, #tpu.memory_space<vmem>> -> memref<400xi32, #tpu.memory_space<vmem>>
    %dma_start3A_188 = arith.constant 0 : i32
    %dma_start3A_189 = arith.constant 0 : i32
    %dma_start3A_190 = tpu.memref_slice %arg3[%dma_start3A_188, %dma_start3A_189] : memref<1000000x64xf32, #tpu.memory_space<hbm>> -> memref<1000000x64xf32, #tpu.memory_space<hbm>>
    tpu.enqueue_indirect_dma source(%dma_start3A_190 : memref<1000000x64xf32, #tpu.memory_space<hbm>>) target(%dma_start3A_185 : memref<400x64xf32, #tpu.memory_space<vmem>>) offsets(%dma_start3A_187 : memref<400xi32, #tpu.memory_space<vmem>>) semaphore(%arg9 : memref<!tpu.dma_semaphore, #tpu.memory_space<semaphore_mem>>)
    %dma_wait3A_191 = arith.constant 3 : i32
    %dma_wait3A_192 = arith.constant 0 : i32
    %dma_wait3A_193 = arith.constant 0 : i32
    %dma_wait3A_194 = tpu.memref_slice %arg6[%dma_wait3A_191, %dma_wait3A_192, %dma_wait3A_193] : memref<4x400x64xf32, #tpu.memory_space<vmem>> -> memref<1x400x64xf32, #tpu.memory_space<vmem>>
    %dma_wait3A_195 = tpu.memref_squeeze %dma_wait3A_194 : memref<1x400x64xf32, #tpu.memory_space<vmem>> -> memref<400x64xf32, #tpu.memory_space<vmem>>
    %dma_wait3A_196 = arith.constant 1200 : i32
    %dma_wait3A_197 = tpu.memref_slice %arg5[%dma_wait3A_196] : memref<25600xi32, #tpu.memory_space<vmem>> -> memref<400xi32, #tpu.memory_space<vmem>>
    %dma_wait3A_198 = arith.constant 0 : i32
    %dma_wait3A_199 = arith.constant 0 : i32
    %dma_wait3A_200 = tpu.memref_slice %arg3[%dma_wait3A_198, %dma_wait3A_199] : memref<1000000x64xf32, #tpu.memory_space<hbm>> -> memref<1000000x64xf32, #tpu.memory_space<hbm>>
    tpu.wait_indirect_dma semaphore(%arg10 : memref<!tpu.dma_semaphore, #tpu.memory_space<semaphore_mem>>) src(%dma_wait3A_200 : memref<1000000x64xf32, #tpu.memory_space<hbm>>) dst(%dma_wait3A_195 : memref<400x64xf32, #tpu.memory_space<vmem>>)
    %add3A_201 = arith.constant 1200 : i32
    %add3A_202 = arith.addi %mul3A_2, %add3A_201 : i32
    %dma_start3A_203 = arith.constant 3 : i32
    %dma_start3A_204 = arith.constant 0 : i32
    %dma_start3A_205 = arith.constant 0 : i32
    %dma_start3A_206 = tpu.memref_slice %arg6[%dma_start3A_203, %dma_start3A_204, %dma_start3A_205] : memref<4x400x64xf32, #tpu.memory_space<vmem>> -> memref<1x400x64xf32, #tpu.memory_space<vmem>>
    %dma_start3A_207 = tpu.memref_squeeze %dma_start3A_206 : memref<1x400x64xf32, #tpu.memory_space<vmem>> -> memref<400x64xf32, #tpu.memory_space<vmem>>
    %dma_start3A_208 = arith.constant 0 : i32
    %dma_start3A_209 = tpu.memref_slice %arg4[%add3A_202, %dma_start3A_208] : memref<819200x64xf32, #tpu.memory_space<hbm>> -> memref<400x64xf32, #tpu.memory_space<hbm>>
    %dma_start3A_210 = arith.constant 0 : i32
    %dma_start3A_211 = tpu.memref_slice %arg4[%add3A_202, %dma_start3A_210] : memref<819200x64xf32, #tpu.memory_space<hbm>> -> memref<400x64xf32, #tpu.memory_space<hbm>>
    %dma_start3A_212 = arith.constant 0 : i32
    %dma_start3A_213 = arith.constant 0 : i32
    %dma_start3A_214 = tpu.memref_slice %arg6[%dma_start3A_203, %dma_start3A_212, %dma_start3A_213] : memref<4x400x64xf32, #tpu.memory_space<vmem>> -> memref<1x400x64xf32, #tpu.memory_space<vmem>>
    %dma_start3A_215 = tpu.memref_squeeze %dma_start3A_214 : memref<1x400x64xf32, #tpu.memory_space<vmem>> -> memref<400x64xf32, #tpu.memory_space<vmem>>
    tpu.enqueue_dma source(%dma_start3A_215 : memref<400x64xf32, #tpu.memory_space<vmem>>) target(%dma_start3A_211 : memref<400x64xf32, #tpu.memory_space<hbm>>) target_semaphore(%arg14 : memref<!tpu.dma_semaphore, #tpu.memory_space<semaphore_mem>>)
    %scan3A = arith.constant 0 : i32
    %scan3A_216 = arith.constant 1 : i32
    %scan3A_217 = arith.constant 14 : i32
    %scan3A_218 = arith.addi %scan3A_216, %scan3A_217 : i32
    %scan3A_219 = arith.constant 1 : i32
    scf.for %scan3A_406 = %scan3A_216 to %scan3A_218 step %scan3A_219  : i32 {
      %mul3A_407 = arith.constant 4 : i32
      %mul3A_408 = arith.muli %scan3A_406, %mul3A_407 : i32
      %add3A_409 = arith.constant 0 : i32
      %add3A_410 = arith.addi %mul3A_408, %add3A_409 : i32
      %sub3A = arith.constant 1 : i32
      %sub3A_411 = arith.subi %add3A_410, %sub3A : i32
      %mul3A_412 = arith.constant 400 : i32
      %mul3A_413 = arith.muli %sub3A_411, %mul3A_412 : i32
      %add3A_414 = arith.addi %mul3A_2, %mul3A_413 : i32
      %dma_wait3A_415 = arith.constant 3 : i32
      %dma_wait3A_416 = arith.constant 0 : i32
      %dma_wait3A_417 = arith.constant 0 : i32
      %dma_wait3A_418 = tpu.memref_slice %arg6[%dma_wait3A_415, %dma_wait3A_416, %dma_wait3A_417] : memref<4x400x64xf32, #tpu.memory_space<vmem>> -> memref<1x400x64xf32, #tpu.memory_space<vmem>>
      %dma_wait3A_419 = tpu.memref_squeeze %dma_wait3A_418 : memref<1x400x64xf32, #tpu.memory_space<vmem>> -> memref<400x64xf32, #tpu.memory_space<vmem>>
      %dma_wait3A_420 = arith.constant 0 : i32
      %dma_wait3A_421 = tpu.memref_slice %arg4[%add3A_414, %dma_wait3A_420] : memref<819200x64xf32, #tpu.memory_space<hbm>> -> memref<400x64xf32, #tpu.memory_space<hbm>>
      %dma_wait3A_422 = arith.constant 0 : i32
      %dma_wait3A_423 = tpu.memref_slice %arg4[%add3A_414, %dma_wait3A_422] : memref<819200x64xf32, #tpu.memory_space<hbm>> -> memref<400x64xf32, #tpu.memory_space<hbm>>
      %dma_wait3A_424 = arith.constant 0 : i32
      %dma_wait3A_425 = arith.constant 0 : i32
      %dma_wait3A_426 = tpu.memref_slice %arg6[%dma_wait3A_415, %dma_wait3A_424, %dma_wait3A_425] : memref<4x400x64xf32, #tpu.memory_space<vmem>> -> memref<1x400x64xf32, #tpu.memory_space<vmem>>
      %dma_wait3A_427 = tpu.memref_squeeze %dma_wait3A_426 : memref<1x400x64xf32, #tpu.memory_space<vmem>> -> memref<400x64xf32, #tpu.memory_space<vmem>>
      tpu.wait_dma2 semaphore(%arg14 : memref<!tpu.dma_semaphore, #tpu.memory_space<semaphore_mem>>) src(%dma_wait3A_427 : memref<400x64xf32, #tpu.memory_space<vmem>>) dst(%dma_wait3A_423 : memref<400x64xf32, #tpu.memory_space<hbm>>)
      %add3A_428 = arith.constant 4 : i32
      %add3A_429 = arith.addi %add3A_410, %add3A_428 : i32
      %sub3A_430 = arith.constant 1 : i32
      %sub3A_431 = arith.subi %add3A_429, %sub3A_430 : i32
      %mul3A_432 = arith.constant 400 : i32
      %mul3A_433 = arith.muli %sub3A_431, %mul3A_432 : i32
      %dma_start3A_434 = arith.constant 3 : i32
      %dma_start3A_435 = arith.constant 0 : i32
      %dma_start3A_436 = arith.constant 0 : i32
      %dma_start3A_437 = tpu.memref_slice %arg6[%dma_start3A_434, %dma_start3A_435, %dma_start3A_436] : memref<4x400x64xf32, #tpu.memory_space<vmem>> -> memref<1x400x64xf32, #tpu.memory_space<vmem>>
      %dma_start3A_438 = tpu.memref_squeeze %dma_start3A_437 : memref<1x400x64xf32, #tpu.memory_space<vmem>> -> memref<400x64xf32, #tpu.memory_space<vmem>>
      %dma_start3A_439 = tpu.memref_slice %arg5[%mul3A_433] : memref<25600xi32, #tpu.memory_space<vmem>> -> memref<400xi32, #tpu.memory_space<vmem>>
      %dma_start3A_440 = arith.constant 0 : i32
      %dma_start3A_441 = arith.constant 0 : i32
      %dma_start3A_442 = tpu.memref_slice %arg3[%dma_start3A_440, %dma_start3A_441] : memref<1000000x64xf32, #tpu.memory_space<hbm>> -> memref<1000000x64xf32, #tpu.memory_space<hbm>>
      tpu.enqueue_indirect_dma source(%dma_start3A_442 : memref<1000000x64xf32, #tpu.memory_space<hbm>>) target(%dma_start3A_438 : memref<400x64xf32, #tpu.memory_space<vmem>>) offsets(%dma_start3A_439 : memref<400xi32, #tpu.memory_space<vmem>>) semaphore(%arg10 : memref<!tpu.dma_semaphore, #tpu.memory_space<semaphore_mem>>)
      %mul3A_443 = arith.constant 400 : i32
      %mul3A_444 = arith.muli %add3A_410, %mul3A_443 : i32
      %dma_wait3A_445 = arith.constant 0 : i32
      %dma_wait3A_446 = arith.constant 0 : i32
      %dma_wait3A_447 = arith.constant 0 : i32
      %dma_wait3A_448 = tpu.memref_slice %arg6[%dma_wait3A_445, %dma_wait3A_446, %dma_wait3A_447] : memref<4x400x64xf32, #tpu.memory_space<vmem>> -> memref<1x400x64xf32, #tpu.memory_space<vmem>>
      %dma_wait3A_449 = tpu.memref_squeeze %dma_wait3A_448 : memref<1x400x64xf32, #tpu.memory_space<vmem>> -> memref<400x64xf32, #tpu.memory_space<vmem>>
      %dma_wait3A_450 = tpu.memref_slice %arg5[%mul3A_444] : memref<25600xi32, #tpu.memory_space<vmem>> -> memref<400xi32, #tpu.memory_space<vmem>>
      %dma_wait3A_451 = arith.constant 0 : i32
      %dma_wait3A_452 = arith.constant 0 : i32
      %dma_wait3A_453 = tpu.memref_slice %arg3[%dma_wait3A_451, %dma_wait3A_452] : memref<1000000x64xf32, #tpu.memory_space<hbm>> -> memref<1000000x64xf32, #tpu.memory_space<hbm>>
      tpu.wait_indirect_dma semaphore(%arg7 : memref<!tpu.dma_semaphore, #tpu.memory_space<semaphore_mem>>) src(%dma_wait3A_453 : memref<1000000x64xf32, #tpu.memory_space<hbm>>) dst(%dma_wait3A_449 : memref<400x64xf32, #tpu.memory_space<vmem>>)
      %mul3A_454 = arith.constant 400 : i32
      %mul3A_455 = arith.muli %add3A_410, %mul3A_454 : i32
      %add3A_456 = arith.addi %mul3A_2, %mul3A_455 : i32
      %dma_start3A_457 = arith.constant 0 : i32
      %dma_start3A_458 = arith.constant 0 : i32
      %dma_start3A_459 = arith.constant 0 : i32
      %dma_start3A_460 = tpu.memref_slice %arg6[%dma_start3A_457, %dma_start3A_458, %dma_start3A_459] : memref<4x400x64xf32, #tpu.memory_space<vmem>> -> memref<1x400x64xf32, #tpu.memory_space<vmem>>
      %dma_start3A_461 = tpu.memref_squeeze %dma_start3A_460 : memref<1x400x64xf32, #tpu.memory_space<vmem>> -> memref<400x64xf32, #tpu.memory_space<vmem>>
      %dma_start3A_462 = arith.constant 0 : i32
      %dma_start3A_463 = tpu.memref_slice %arg4[%add3A_456, %dma_start3A_462] : memref<819200x64xf32, #tpu.memory_space<hbm>> -> memref<400x64xf32, #tpu.memory_space<hbm>>
      %dma_start3A_464 = arith.constant 0 : i32
      %dma_start3A_465 = tpu.memref_slice %arg4[%add3A_456, %dma_start3A_464] : memref<819200x64xf32, #tpu.memory_space<hbm>> -> memref<400x64xf32, #tpu.memory_space<hbm>>
      %dma_start3A_466 = arith.constant 0 : i32
      %dma_start3A_467 = arith.constant 0 : i32
      %dma_start3A_468 = tpu.memref_slice %arg6[%dma_start3A_457, %dma_start3A_466, %dma_start3A_467] : memref<4x400x64xf32, #tpu.memory_space<vmem>> -> memref<1x400x64xf32, #tpu.memory_space<vmem>>
      %dma_start3A_469 = tpu.memref_squeeze %dma_start3A_468 : memref<1x400x64xf32, #tpu.memory_space<vmem>> -> memref<400x64xf32, #tpu.memory_space<vmem>>
      tpu.enqueue_dma source(%dma_start3A_469 : memref<400x64xf32, #tpu.memory_space<vmem>>) target(%dma_start3A_465 : memref<400x64xf32, #tpu.memory_space<hbm>>) target_semaphore(%arg11 : memref<!tpu.dma_semaphore, #tpu.memory_space<semaphore_mem>>)
      %mul3A_470 = arith.constant 4 : i32
      %mul3A_471 = arith.muli %scan3A_406, %mul3A_470 : i32
      %add3A_472 = arith.constant 1 : i32
      %add3A_473 = arith.addi %mul3A_471, %add3A_472 : i32
      %sub3A_474 = arith.constant 1 : i32
      %sub3A_475 = arith.subi %add3A_473, %sub3A_474 : i32
      %mul3A_476 = arith.constant 400 : i32
      %mul3A_477 = arith.muli %sub3A_475, %mul3A_476 : i32
      %add3A_478 = arith.addi %mul3A_2, %mul3A_477 : i32
      %dma_wait3A_479 = arith.constant 0 : i32
      %dma_wait3A_480 = arith.constant 0 : i32
      %dma_wait3A_481 = arith.constant 0 : i32
      %dma_wait3A_482 = tpu.memref_slice %arg6[%dma_wait3A_479, %dma_wait3A_480, %dma_wait3A_481] : memref<4x400x64xf32, #tpu.memory_space<vmem>> -> memref<1x400x64xf32, #tpu.memory_space<vmem>>
      %dma_wait3A_483 = tpu.memref_squeeze %dma_wait3A_482 : memref<1x400x64xf32, #tpu.memory_space<vmem>> -> memref<400x64xf32, #tpu.memory_space<vmem>>
      %dma_wait3A_484 = arith.constant 0 : i32
      %dma_wait3A_485 = tpu.memref_slice %arg4[%add3A_478, %dma_wait3A_484] : memref<819200x64xf32, #tpu.memory_space<hbm>> -> memref<400x64xf32, #tpu.memory_space<hbm>>
      %dma_wait3A_486 = arith.constant 0 : i32
      %dma_wait3A_487 = tpu.memref_slice %arg4[%add3A_478, %dma_wait3A_486] : memref<819200x64xf32, #tpu.memory_space<hbm>> -> memref<400x64xf32, #tpu.memory_space<hbm>>
      %dma_wait3A_488 = arith.constant 0 : i32
      %dma_wait3A_489 = arith.constant 0 : i32
      %dma_wait3A_490 = tpu.memref_slice %arg6[%dma_wait3A_479, %dma_wait3A_488, %dma_wait3A_489] : memref<4x400x64xf32, #tpu.memory_space<vmem>> -> memref<1x400x64xf32, #tpu.memory_space<vmem>>
      %dma_wait3A_491 = tpu.memref_squeeze %dma_wait3A_490 : memref<1x400x64xf32, #tpu.memory_space<vmem>> -> memref<400x64xf32, #tpu.memory_space<vmem>>
      tpu.wait_dma2 semaphore(%arg11 : memref<!tpu.dma_semaphore, #tpu.memory_space<semaphore_mem>>) src(%dma_wait3A_491 : memref<400x64xf32, #tpu.memory_space<vmem>>) dst(%dma_wait3A_487 : memref<400x64xf32, #tpu.memory_space<hbm>>)
      %add3A_492 = arith.constant 4 : i32
      %add3A_493 = arith.addi %add3A_473, %add3A_492 : i32
      %sub3A_494 = arith.constant 1 : i32
      %sub3A_495 = arith.subi %add3A_493, %sub3A_494 : i32
      %mul3A_496 = arith.constant 400 : i32
      %mul3A_497 = arith.muli %sub3A_495, %mul3A_496 : i32
      %dma_start3A_498 = arith.constant 0 : i32
      %dma_start3A_499 = arith.constant 0 : i32
      %dma_start3A_500 = arith.constant 0 : i32
      %dma_start3A_501 = tpu.memref_slice %arg6[%dma_start3A_498, %dma_start3A_499, %dma_start3A_500] : memref<4x400x64xf32, #tpu.memory_space<vmem>> -> memref<1x400x64xf32, #tpu.memory_space<vmem>>
      %dma_start3A_502 = tpu.memref_squeeze %dma_start3A_501 : memref<1x400x64xf32, #tpu.memory_space<vmem>> -> memref<400x64xf32, #tpu.memory_space<vmem>>
      %dma_start3A_503 = tpu.memref_slice %arg5[%mul3A_497] : memref<25600xi32, #tpu.memory_space<vmem>> -> memref<400xi32, #tpu.memory_space<vmem>>
      %dma_start3A_504 = arith.constant 0 : i32
      %dma_start3A_505 = arith.constant 0 : i32
      %dma_start3A_506 = tpu.memref_slice %arg3[%dma_start3A_504, %dma_start3A_505] : memref<1000000x64xf32, #tpu.memory_space<hbm>> -> memref<1000000x64xf32, #tpu.memory_space<hbm>>
      tpu.enqueue_indirect_dma source(%dma_start3A_506 : memref<1000000x64xf32, #tpu.memory_space<hbm>>) target(%dma_start3A_502 : memref<400x64xf32, #tpu.memory_space<vmem>>) offsets(%dma_start3A_503 : memref<400xi32, #tpu.memory_space<vmem>>) semaphore(%arg7 : memref<!tpu.dma_semaphore, #tpu.memory_space<semaphore_mem>>)
      %mul3A_507 = arith.constant 400 : i32
      %mul3A_508 = arith.muli %add3A_473, %mul3A_507 : i32
      %dma_wait3A_509 = arith.constant 1 : i32
      %dma_wait3A_510 = arith.constant 0 : i32
      %dma_wait3A_511 = arith.constant 0 : i32
      %dma_wait3A_512 = tpu.memref_slice %arg6[%dma_wait3A_509, %dma_wait3A_510, %dma_wait3A_511] : memref<4x400x64xf32, #tpu.memory_space<vmem>> -> memref<1x400x64xf32, #tpu.memory_space<vmem>>
      %dma_wait3A_513 = tpu.memref_squeeze %dma_wait3A_512 : memref<1x400x64xf32, #tpu.memory_space<vmem>> -> memref<400x64xf32, #tpu.memory_space<vmem>>
      %dma_wait3A_514 = tpu.memref_slice %arg5[%mul3A_508] : memref<25600xi32, #tpu.memory_space<vmem>> -> memref<400xi32, #tpu.memory_space<vmem>>
      %dma_wait3A_515 = arith.constant 0 : i32
      %dma_wait3A_516 = arith.constant 0 : i32
      %dma_wait3A_517 = tpu.memref_slice %arg3[%dma_wait3A_515, %dma_wait3A_516] : memref<1000000x64xf32, #tpu.memory_space<hbm>> -> memref<1000000x64xf32, #tpu.memory_space<hbm>>
      tpu.wait_indirect_dma semaphore(%arg8 : memref<!tpu.dma_semaphore, #tpu.memory_space<semaphore_mem>>) src(%dma_wait3A_517 : memref<1000000x64xf32, #tpu.memory_space<hbm>>) dst(%dma_wait3A_513 : memref<400x64xf32, #tpu.memory_space<vmem>>)
      %mul3A_518 = arith.constant 400 : i32
      %mul3A_519 = arith.muli %add3A_473, %mul3A_518 : i32
      %add3A_520 = arith.addi %mul3A_2, %mul3A_519 : i32
      %dma_start3A_521 = arith.constant 1 : i32
      %dma_start3A_522 = arith.constant 0 : i32
      %dma_start3A_523 = arith.constant 0 : i32
      %dma_start3A_524 = tpu.memref_slice %arg6[%dma_start3A_521, %dma_start3A_522, %dma_start3A_523] : memref<4x400x64xf32, #tpu.memory_space<vmem>> -> memref<1x400x64xf32, #tpu.memory_space<vmem>>
      %dma_start3A_525 = tpu.memref_squeeze %dma_start3A_524 : memref<1x400x64xf32, #tpu.memory_space<vmem>> -> memref<400x64xf32, #tpu.memory_space<vmem>>
      %dma_start3A_526 = arith.constant 0 : i32
      %dma_start3A_527 = tpu.memref_slice %arg4[%add3A_520, %dma_start3A_526] : memref<819200x64xf32, #tpu.memory_space<hbm>> -> memref<400x64xf32, #tpu.memory_space<hbm>>
      %dma_start3A_528 = arith.constant 0 : i32
      %dma_start3A_529 = tpu.memref_slice %arg4[%add3A_520, %dma_start3A_528] : memref<819200x64xf32, #tpu.memory_space<hbm>> -> memref<400x64xf32, #tpu.memory_space<hbm>>
      %dma_start3A_530 = arith.constant 0 : i32
      %dma_start3A_531 = arith.constant 0 : i32
      %dma_start3A_532 = tpu.memref_slice %arg6[%dma_start3A_521, %dma_start3A_530, %dma_start3A_531] : memref<4x400x64xf32, #tpu.memory_space<vmem>> -> memref<1x400x64xf32, #tpu.memory_space<vmem>>
      %dma_start3A_533 = tpu.memref_squeeze %dma_start3A_532 : memref<1x400x64xf32, #tpu.memory_space<vmem>> -> memref<400x64xf32, #tpu.memory_space<vmem>>
      tpu.enqueue_dma source(%dma_start3A_533 : memref<400x64xf32, #tpu.memory_space<vmem>>) target(%dma_start3A_529 : memref<400x64xf32, #tpu.memory_space<hbm>>) target_semaphore(%arg12 : memref<!tpu.dma_semaphore, #tpu.memory_space<semaphore_mem>>)
      %mul3A_534 = arith.constant 4 : i32
      %mul3A_535 = arith.muli %scan3A_406, %mul3A_534 : i32
      %add3A_536 = arith.constant 2 : i32
      %add3A_537 = arith.addi %mul3A_535, %add3A_536 : i32
      %sub3A_538 = arith.constant 1 : i32
      %sub3A_539 = arith.subi %add3A_537, %sub3A_538 : i32
      %mul3A_540 = arith.constant 400 : i32
      %mul3A_541 = arith.muli %sub3A_539, %mul3A_540 : i32
      %add3A_542 = arith.addi %mul3A_2, %mul3A_541 : i32
      %dma_wait3A_543 = arith.constant 1 : i32
      %dma_wait3A_544 = arith.constant 0 : i32
      %dma_wait3A_545 = arith.constant 0 : i32
      %dma_wait3A_546 = tpu.memref_slice %arg6[%dma_wait3A_543, %dma_wait3A_544, %dma_wait3A_545] : memref<4x400x64xf32, #tpu.memory_space<vmem>> -> memref<1x400x64xf32, #tpu.memory_space<vmem>>
      %dma_wait3A_547 = tpu.memref_squeeze %dma_wait3A_546 : memref<1x400x64xf32, #tpu.memory_space<vmem>> -> memref<400x64xf32, #tpu.memory_space<vmem>>
      %dma_wait3A_548 = arith.constant 0 : i32
      %dma_wait3A_549 = tpu.memref_slice %arg4[%add3A_542, %dma_wait3A_548] : memref<819200x64xf32, #tpu.memory_space<hbm>> -> memref<400x64xf32, #tpu.memory_space<hbm>>
      %dma_wait3A_550 = arith.constant 0 : i32
      %dma_wait3A_551 = tpu.memref_slice %arg4[%add3A_542, %dma_wait3A_550] : memref<819200x64xf32, #tpu.memory_space<hbm>> -> memref<400x64xf32, #tpu.memory_space<hbm>>
      %dma_wait3A_552 = arith.constant 0 : i32
      %dma_wait3A_553 = arith.constant 0 : i32
      %dma_wait3A_554 = tpu.memref_slice %arg6[%dma_wait3A_543, %dma_wait3A_552, %dma_wait3A_553] : memref<4x400x64xf32, #tpu.memory_space<vmem>> -> memref<1x400x64xf32, #tpu.memory_space<vmem>>
      %dma_wait3A_555 = tpu.memref_squeeze %dma_wait3A_554 : memref<1x400x64xf32, #tpu.memory_space<vmem>> -> memref<400x64xf32, #tpu.memory_space<vmem>>
      tpu.wait_dma2 semaphore(%arg12 : memref<!tpu.dma_semaphore, #tpu.memory_space<semaphore_mem>>) src(%dma_wait3A_555 : memref<400x64xf32, #tpu.memory_space<vmem>>) dst(%dma_wait3A_551 : memref<400x64xf32, #tpu.memory_space<hbm>>)
      %add3A_556 = arith.constant 4 : i32
      %add3A_557 = arith.addi %add3A_537, %add3A_556 : i32
      %sub3A_558 = arith.constant 1 : i32
      %sub3A_559 = arith.subi %add3A_557, %sub3A_558 : i32
      %mul3A_560 = arith.constant 400 : i32
      %mul3A_561 = arith.muli %sub3A_559, %mul3A_560 : i32
      %dma_start3A_562 = arith.constant 1 : i32
      %dma_start3A_563 = arith.constant 0 : i32
      %dma_start3A_564 = arith.constant 0 : i32
      %dma_start3A_565 = tpu.memref_slice %arg6[%dma_start3A_562, %dma_start3A_563, %dma_start3A_564] : memref<4x400x64xf32, #tpu.memory_space<vmem>> -> memref<1x400x64xf32, #tpu.memory_space<vmem>>
      %dma_start3A_566 = tpu.memref_squeeze %dma_start3A_565 : memref<1x400x64xf32, #tpu.memory_space<vmem>> -> memref<400x64xf32, #tpu.memory_space<vmem>>
      %dma_start3A_567 = tpu.memref_slice %arg5[%mul3A_561] : memref<25600xi32, #tpu.memory_space<vmem>> -> memref<400xi32, #tpu.memory_space<vmem>>
      %dma_start3A_568 = arith.constant 0 : i32
      %dma_start3A_569 = arith.constant 0 : i32
      %dma_start3A_570 = tpu.memref_slice %arg3[%dma_start3A_568, %dma_start3A_569] : memref<1000000x64xf32, #tpu.memory_space<hbm>> -> memref<1000000x64xf32, #tpu.memory_space<hbm>>
      tpu.enqueue_indirect_dma source(%dma_start3A_570 : memref<1000000x64xf32, #tpu.memory_space<hbm>>) target(%dma_start3A_566 : memref<400x64xf32, #tpu.memory_space<vmem>>) offsets(%dma_start3A_567 : memref<400xi32, #tpu.memory_space<vmem>>) semaphore(%arg8 : memref<!tpu.dma_semaphore, #tpu.memory_space<semaphore_mem>>)
      %mul3A_571 = arith.constant 400 : i32
      %mul3A_572 = arith.muli %add3A_537, %mul3A_571 : i32
      %dma_wait3A_573 = arith.constant 2 : i32
      %dma_wait3A_574 = arith.constant 0 : i32
      %dma_wait3A_575 = arith.constant 0 : i32
      %dma_wait3A_576 = tpu.memref_slice %arg6[%dma_wait3A_573, %dma_wait3A_574, %dma_wait3A_575] : memref<4x400x64xf32, #tpu.memory_space<vmem>> -> memref<1x400x64xf32, #tpu.memory_space<vmem>>
      %dma_wait3A_577 = tpu.memref_squeeze %dma_wait3A_576 : memref<1x400x64xf32, #tpu.memory_space<vmem>> -> memref<400x64xf32, #tpu.memory_space<vmem>>
      %dma_wait3A_578 = tpu.memref_slice %arg5[%mul3A_572] : memref<25600xi32, #tpu.memory_space<vmem>> -> memref<400xi32, #tpu.memory_space<vmem>>
      %dma_wait3A_579 = arith.constant 0 : i32
      %dma_wait3A_580 = arith.constant 0 : i32
      %dma_wait3A_581 = tpu.memref_slice %arg3[%dma_wait3A_579, %dma_wait3A_580] : memref<1000000x64xf32, #tpu.memory_space<hbm>> -> memref<1000000x64xf32, #tpu.memory_space<hbm>>
      tpu.wait_indirect_dma semaphore(%arg9 : memref<!tpu.dma_semaphore, #tpu.memory_space<semaphore_mem>>) src(%dma_wait3A_581 : memref<1000000x64xf32, #tpu.memory_space<hbm>>) dst(%dma_wait3A_577 : memref<400x64xf32, #tpu.memory_space<vmem>>)
      %mul3A_582 = arith.constant 400 : i32
      %mul3A_583 = arith.muli %add3A_537, %mul3A_582 : i32
      %add3A_584 = arith.addi %mul3A_2, %mul3A_583 : i32
      %dma_start3A_585 = arith.constant 2 : i32
      %dma_start3A_586 = arith.constant 0 : i32
      %dma_start3A_587 = arith.constant 0 : i32
      %dma_start3A_588 = tpu.memref_slice %arg6[%dma_start3A_585, %dma_start3A_586, %dma_start3A_587] : memref<4x400x64xf32, #tpu.memory_space<vmem>> -> memref<1x400x64xf32, #tpu.memory_space<vmem>>
      %dma_start3A_589 = tpu.memref_squeeze %dma_start3A_588 : memref<1x400x64xf32, #tpu.memory_space<vmem>> -> memref<400x64xf32, #tpu.memory_space<vmem>>
      %dma_start3A_590 = arith.constant 0 : i32
      %dma_start3A_591 = tpu.memref_slice %arg4[%add3A_584, %dma_start3A_590] : memref<819200x64xf32, #tpu.memory_space<hbm>> -> memref<400x64xf32, #tpu.memory_space<hbm>>
      %dma_start3A_592 = arith.constant 0 : i32
      %dma_start3A_593 = tpu.memref_slice %arg4[%add3A_584, %dma_start3A_592] : memref<819200x64xf32, #tpu.memory_space<hbm>> -> memref<400x64xf32, #tpu.memory_space<hbm>>
      %dma_start3A_594 = arith.constant 0 : i32
      %dma_start3A_595 = arith.constant 0 : i32
      %dma_start3A_596 = tpu.memref_slice %arg6[%dma_start3A_585, %dma_start3A_594, %dma_start3A_595] : memref<4x400x64xf32, #tpu.memory_space<vmem>> -> memref<1x400x64xf32, #tpu.memory_space<vmem>>
      %dma_start3A_597 = tpu.memref_squeeze %dma_start3A_596 : memref<1x400x64xf32, #tpu.memory_space<vmem>> -> memref<400x64xf32, #tpu.memory_space<vmem>>
      tpu.enqueue_dma source(%dma_start3A_597 : memref<400x64xf32, #tpu.memory_space<vmem>>) target(%dma_start3A_593 : memref<400x64xf32, #tpu.memory_space<hbm>>) target_semaphore(%arg13 : memref<!tpu.dma_semaphore, #tpu.memory_space<semaphore_mem>>)
      %mul3A_598 = arith.constant 4 : i32
      %mul3A_599 = arith.muli %scan3A_406, %mul3A_598 : i32
      %add3A_600 = arith.constant 3 : i32
      %add3A_601 = arith.addi %mul3A_599, %add3A_600 : i32
      %sub3A_602 = arith.constant 1 : i32
      %sub3A_603 = arith.subi %add3A_601, %sub3A_602 : i32
      %mul3A_604 = arith.constant 400 : i32
      %mul3A_605 = arith.muli %sub3A_603, %mul3A_604 : i32
      %add3A_606 = arith.addi %mul3A_2, %mul3A_605 : i32
      %dma_wait3A_607 = arith.constant 2 : i32
      %dma_wait3A_608 = arith.constant 0 : i32
      %dma_wait3A_609 = arith.constant 0 : i32
      %dma_wait3A_610 = tpu.memref_slice %arg6[%dma_wait3A_607, %dma_wait3A_608, %dma_wait3A_609] : memref<4x400x64xf32, #tpu.memory_space<vmem>> -> memref<1x400x64xf32, #tpu.memory_space<vmem>>
      %dma_wait3A_611 = tpu.memref_squeeze %dma_wait3A_610 : memref<1x400x64xf32, #tpu.memory_space<vmem>> -> memref<400x64xf32, #tpu.memory_space<vmem>>
      %dma_wait3A_612 = arith.constant 0 : i32
      %dma_wait3A_613 = tpu.memref_slice %arg4[%add3A_606, %dma_wait3A_612] : memref<819200x64xf32, #tpu.memory_space<hbm>> -> memref<400x64xf32, #tpu.memory_space<hbm>>
      %dma_wait3A_614 = arith.constant 0 : i32
      %dma_wait3A_615 = tpu.memref_slice %arg4[%add3A_606, %dma_wait3A_614] : memref<819200x64xf32, #tpu.memory_space<hbm>> -> memref<400x64xf32, #tpu.memory_space<hbm>>
      %dma_wait3A_616 = arith.constant 0 : i32
      %dma_wait3A_617 = arith.constant 0 : i32
      %dma_wait3A_618 = tpu.memref_slice %arg6[%dma_wait3A_607, %dma_wait3A_616, %dma_wait3A_617] : memref<4x400x64xf32, #tpu.memory_space<vmem>> -> memref<1x400x64xf32, #tpu.memory_space<vmem>>
      %dma_wait3A_619 = tpu.memref_squeeze %dma_wait3A_618 : memref<1x400x64xf32, #tpu.memory_space<vmem>> -> memref<400x64xf32, #tpu.memory_space<vmem>>
      tpu.wait_dma2 semaphore(%arg13 : memref<!tpu.dma_semaphore, #tpu.memory_space<semaphore_mem>>) src(%dma_wait3A_619 : memref<400x64xf32, #tpu.memory_space<vmem>>) dst(%dma_wait3A_615 : memref<400x64xf32, #tpu.memory_space<hbm>>)
      %add3A_620 = arith.constant 4 : i32
      %add3A_621 = arith.addi %add3A_601, %add3A_620 : i32
      %sub3A_622 = arith.constant 1 : i32
      %sub3A_623 = arith.subi %add3A_621, %sub3A_622 : i32
      %mul3A_624 = arith.constant 400 : i32
      %mul3A_625 = arith.muli %sub3A_623, %mul3A_624 : i32
      %dma_start3A_626 = arith.constant 2 : i32
      %dma_start3A_627 = arith.constant 0 : i32
      %dma_start3A_628 = arith.constant 0 : i32
      %dma_start3A_629 = tpu.memref_slice %arg6[%dma_start3A_626, %dma_start3A_627, %dma_start3A_628] : memref<4x400x64xf32, #tpu.memory_space<vmem>> -> memref<1x400x64xf32, #tpu.memory_space<vmem>>
      %dma_start3A_630 = tpu.memref_squeeze %dma_start3A_629 : memref<1x400x64xf32, #tpu.memory_space<vmem>> -> memref<400x64xf32, #tpu.memory_space<vmem>>
      %dma_start3A_631 = tpu.memref_slice %arg5[%mul3A_625] : memref<25600xi32, #tpu.memory_space<vmem>> -> memref<400xi32, #tpu.memory_space<vmem>>
      %dma_start3A_632 = arith.constant 0 : i32
      %dma_start3A_633 = arith.constant 0 : i32
      %dma_start3A_634 = tpu.memref_slice %arg3[%dma_start3A_632, %dma_start3A_633] : memref<1000000x64xf32, #tpu.memory_space<hbm>> -> memref<1000000x64xf32, #tpu.memory_space<hbm>>
      tpu.enqueue_indirect_dma source(%dma_start3A_634 : memref<1000000x64xf32, #tpu.memory_space<hbm>>) target(%dma_start3A_630 : memref<400x64xf32, #tpu.memory_space<vmem>>) offsets(%dma_start3A_631 : memref<400xi32, #tpu.memory_space<vmem>>) semaphore(%arg9 : memref<!tpu.dma_semaphore, #tpu.memory_space<semaphore_mem>>)
      %mul3A_635 = arith.constant 400 : i32
      %mul3A_636 = arith.muli %add3A_601, %mul3A_635 : i32
      %dma_wait3A_637 = arith.constant 3 : i32
      %dma_wait3A_638 = arith.constant 0 : i32
      %dma_wait3A_639 = arith.constant 0 : i32
      %dma_wait3A_640 = tpu.memref_slice %arg6[%dma_wait3A_637, %dma_wait3A_638, %dma_wait3A_639] : memref<4x400x64xf32, #tpu.memory_space<vmem>> -> memref<1x400x64xf32, #tpu.memory_space<vmem>>
      %dma_wait3A_641 = tpu.memref_squeeze %dma_wait3A_640 : memref<1x400x64xf32, #tpu.memory_space<vmem>> -> memref<400x64xf32, #tpu.memory_space<vmem>>
      %dma_wait3A_642 = tpu.memref_slice %arg5[%mul3A_636] : memref<25600xi32, #tpu.memory_space<vmem>> -> memref<400xi32, #tpu.memory_space<vmem>>
      %dma_wait3A_643 = arith.constant 0 : i32
      %dma_wait3A_644 = arith.constant 0 : i32
      %dma_wait3A_645 = tpu.memref_slice %arg3[%dma_wait3A_643, %dma_wait3A_644] : memref<1000000x64xf32, #tpu.memory_space<hbm>> -> memref<1000000x64xf32, #tpu.memory_space<hbm>>
      tpu.wait_indirect_dma semaphore(%arg10 : memref<!tpu.dma_semaphore, #tpu.memory_space<semaphore_mem>>) src(%dma_wait3A_645 : memref<1000000x64xf32, #tpu.memory_space<hbm>>) dst(%dma_wait3A_641 : memref<400x64xf32, #tpu.memory_space<vmem>>)
      %mul3A_646 = arith.constant 400 : i32
      %mul3A_647 = arith.muli %add3A_601, %mul3A_646 : i32
      %add3A_648 = arith.addi %mul3A_2, %mul3A_647 : i32
      %dma_start3A_649 = arith.constant 3 : i32
      %dma_start3A_650 = arith.constant 0 : i32
      %dma_start3A_651 = arith.constant 0 : i32
      %dma_start3A_652 = tpu.memref_slice %arg6[%dma_start3A_649, %dma_start3A_650, %dma_start3A_651] : memref<4x400x64xf32, #tpu.memory_space<vmem>> -> memref<1x400x64xf32, #tpu.memory_space<vmem>>
      %dma_start3A_653 = tpu.memref_squeeze %dma_start3A_652 : memref<1x400x64xf32, #tpu.memory_space<vmem>> -> memref<400x64xf32, #tpu.memory_space<vmem>>
      %dma_start3A_654 = arith.constant 0 : i32
      %dma_start3A_655 = tpu.memref_slice %arg4[%add3A_648, %dma_start3A_654] : memref<819200x64xf32, #tpu.memory_space<hbm>> -> memref<400x64xf32, #tpu.memory_space<hbm>>
      %dma_start3A_656 = arith.constant 0 : i32
      %dma_start3A_657 = tpu.memref_slice %arg4[%add3A_648, %dma_start3A_656] : memref<819200x64xf32, #tpu.memory_space<hbm>> -> memref<400x64xf32, #tpu.memory_space<hbm>>
      %dma_start3A_658 = arith.constant 0 : i32
      %dma_start3A_659 = arith.constant 0 : i32
      %dma_start3A_660 = tpu.memref_slice %arg6[%dma_start3A_649, %dma_start3A_658, %dma_start3A_659] : memref<4x400x64xf32, #tpu.memory_space<vmem>> -> memref<1x400x64xf32, #tpu.memory_space<vmem>>
      %dma_start3A_661 = tpu.memref_squeeze %dma_start3A_660 : memref<1x400x64xf32, #tpu.memory_space<vmem>> -> memref<400x64xf32, #tpu.memory_space<vmem>>
      tpu.enqueue_dma source(%dma_start3A_661 : memref<400x64xf32, #tpu.memory_space<vmem>>) target(%dma_start3A_657 : memref<400x64xf32, #tpu.memory_space<hbm>>) target_semaphore(%arg14 : memref<!tpu.dma_semaphore, #tpu.memory_space<semaphore_mem>>)
    }
    %scan3A_220 = arith.constant 14 : i32
    %add3A_221 = arith.constant 23600 : i32
    %add3A_222 = arith.addi %mul3A_2, %add3A_221 : i32
    %dma_wait3A_223 = arith.constant 3 : i32
    %dma_wait3A_224 = arith.constant 0 : i32
    %dma_wait3A_225 = arith.constant 0 : i32
    %dma_wait3A_226 = tpu.memref_slice %arg6[%dma_wait3A_223, %dma_wait3A_224, %dma_wait3A_225] : memref<4x400x64xf32, #tpu.memory_space<vmem>> -> memref<1x400x64xf32, #tpu.memory_space<vmem>>
    %dma_wait3A_227 = tpu.memref_squeeze %dma_wait3A_226 : memref<1x400x64xf32, #tpu.memory_space<vmem>> -> memref<400x64xf32, #tpu.memory_space<vmem>>
    %dma_wait3A_228 = arith.constant 0 : i32
    %dma_wait3A_229 = tpu.memref_slice %arg4[%add3A_222, %dma_wait3A_228] : memref<819200x64xf32, #tpu.memory_space<hbm>> -> memref<400x64xf32, #tpu.memory_space<hbm>>
    %dma_wait3A_230 = arith.constant 0 : i32
    %dma_wait3A_231 = tpu.memref_slice %arg4[%add3A_222, %dma_wait3A_230] : memref<819200x64xf32, #tpu.memory_space<hbm>> -> memref<400x64xf32, #tpu.memory_space<hbm>>
    %dma_wait3A_232 = arith.constant 0 : i32
    %dma_wait3A_233 = arith.constant 0 : i32
    %dma_wait3A_234 = tpu.memref_slice %arg6[%dma_wait3A_223, %dma_wait3A_232, %dma_wait3A_233] : memref<4x400x64xf32, #tpu.memory_space<vmem>> -> memref<1x400x64xf32, #tpu.memory_space<vmem>>
    %dma_wait3A_235 = tpu.memref_squeeze %dma_wait3A_234 : memref<1x400x64xf32, #tpu.memory_space<vmem>> -> memref<400x64xf32, #tpu.memory_space<vmem>>
    tpu.wait_dma2 semaphore(%arg14 : memref<!tpu.dma_semaphore, #tpu.memory_space<semaphore_mem>>) src(%dma_wait3A_235 : memref<400x64xf32, #tpu.memory_space<vmem>>) dst(%dma_wait3A_231 : memref<400x64xf32, #tpu.memory_space<hbm>>)
    %dma_start3A_236 = arith.constant 3 : i32
    %dma_start3A_237 = arith.constant 0 : i32
    %dma_start3A_238 = arith.constant 0 : i32
    %dma_start3A_239 = tpu.memref_slice %arg6[%dma_start3A_236, %dma_start3A_237, %dma_start3A_238] : memref<4x400x64xf32, #tpu.memory_space<vmem>> -> memref<1x400x64xf32, #tpu.memory_space<vmem>>
    %dma_start3A_240 = tpu.memref_squeeze %dma_start3A_239 : memref<1x400x64xf32, #tpu.memory_space<vmem>> -> memref<400x64xf32, #tpu.memory_space<vmem>>
    %dma_start3A_241 = arith.constant 25200 : i32
    %dma_start3A_242 = tpu.memref_slice %arg5[%dma_start3A_241] : memref<25600xi32, #tpu.memory_space<vmem>> -> memref<400xi32, #tpu.memory_space<vmem>>
    %dma_start3A_243 = arith.constant 0 : i32
    %dma_start3A_244 = arith.constant 0 : i32
    %dma_start3A_245 = tpu.memref_slice %arg3[%dma_start3A_243, %dma_start3A_244] : memref<1000000x64xf32, #tpu.memory_space<hbm>> -> memref<1000000x64xf32, #tpu.memory_space<hbm>>
    tpu.enqueue_indirect_dma source(%dma_start3A_245 : memref<1000000x64xf32, #tpu.memory_space<hbm>>) target(%dma_start3A_240 : memref<400x64xf32, #tpu.memory_space<vmem>>) offsets(%dma_start3A_242 : memref<400xi32, #tpu.memory_space<vmem>>) semaphore(%arg10 : memref<!tpu.dma_semaphore, #tpu.memory_space<semaphore_mem>>)
    %dma_wait3A_246 = arith.constant 0 : i32
    %dma_wait3A_247 = arith.constant 0 : i32
    %dma_wait3A_248 = arith.constant 0 : i32
    %dma_wait3A_249 = tpu.memref_slice %arg6[%dma_wait3A_246, %dma_wait3A_247, %dma_wait3A_248] : memref<4x400x64xf32, #tpu.memory_space<vmem>> -> memref<1x400x64xf32, #tpu.memory_space<vmem>>
    %dma_wait3A_250 = tpu.memref_squeeze %dma_wait3A_249 : memref<1x400x64xf32, #tpu.memory_space<vmem>> -> memref<400x64xf32, #tpu.memory_space<vmem>>
    %dma_wait3A_251 = arith.constant 24000 : i32
    %dma_wait3A_252 = tpu.memref_slice %arg5[%dma_wait3A_251] : memref<25600xi32, #tpu.memory_space<vmem>> -> memref<400xi32, #tpu.memory_space<vmem>>
    %dma_wait3A_253 = arith.constant 0 : i32
    %dma_wait3A_254 = arith.constant 0 : i32
    %dma_wait3A_255 = tpu.memref_slice %arg3[%dma_wait3A_253, %dma_wait3A_254] : memref<1000000x64xf32, #tpu.memory_space<hbm>> -> memref<1000000x64xf32, #tpu.memory_space<hbm>>
    tpu.wait_indirect_dma semaphore(%arg7 : memref<!tpu.dma_semaphore, #tpu.memory_space<semaphore_mem>>) src(%dma_wait3A_255 : memref<1000000x64xf32, #tpu.memory_space<hbm>>) dst(%dma_wait3A_250 : memref<400x64xf32, #tpu.memory_space<vmem>>)
    %add3A_256 = arith.constant 24000 : i32
    %add3A_257 = arith.addi %mul3A_2, %add3A_256 : i32
    %dma_start3A_258 = arith.constant 0 : i32
    %dma_start3A_259 = arith.constant 0 : i32
    %dma_start3A_260 = arith.constant 0 : i32
    %dma_start3A_261 = tpu.memref_slice %arg6[%dma_start3A_258, %dma_start3A_259, %dma_start3A_260] : memref<4x400x64xf32, #tpu.memory_space<vmem>> -> memref<1x400x64xf32, #tpu.memory_space<vmem>>
    %dma_start3A_262 = tpu.memref_squeeze %dma_start3A_261 : memref<1x400x64xf32, #tpu.memory_space<vmem>> -> memref<400x64xf32, #tpu.memory_space<vmem>>
    %dma_start3A_263 = arith.constant 0 : i32
    %dma_start3A_264 = tpu.memref_slice %arg4[%add3A_257, %dma_start3A_263] : memref<819200x64xf32, #tpu.memory_space<hbm>> -> memref<400x64xf32, #tpu.memory_space<hbm>>
    %dma_start3A_265 = arith.constant 0 : i32
    %dma_start3A_266 = tpu.memref_slice %arg4[%add3A_257, %dma_start3A_265] : memref<819200x64xf32, #tpu.memory_space<hbm>> -> memref<400x64xf32, #tpu.memory_space<hbm>>
    %dma_start3A_267 = arith.constant 0 : i32
    %dma_start3A_268 = arith.constant 0 : i32
    %dma_start3A_269 = tpu.memref_slice %arg6[%dma_start3A_258, %dma_start3A_267, %dma_start3A_268] : memref<4x400x64xf32, #tpu.memory_space<vmem>> -> memref<1x400x64xf32, #tpu.memory_space<vmem>>
    %dma_start3A_270 = tpu.memref_squeeze %dma_start3A_269 : memref<1x400x64xf32, #tpu.memory_space<vmem>> -> memref<400x64xf32, #tpu.memory_space<vmem>>
    tpu.enqueue_dma source(%dma_start3A_270 : memref<400x64xf32, #tpu.memory_space<vmem>>) target(%dma_start3A_266 : memref<400x64xf32, #tpu.memory_space<hbm>>) target_semaphore(%arg11 : memref<!tpu.dma_semaphore, #tpu.memory_space<semaphore_mem>>)
    %dma_wait3A_271 = arith.constant 1 : i32
    %dma_wait3A_272 = arith.constant 0 : i32
    %dma_wait3A_273 = arith.constant 0 : i32
    %dma_wait3A_274 = tpu.memref_slice %arg6[%dma_wait3A_271, %dma_wait3A_272, %dma_wait3A_273] : memref<4x400x64xf32, #tpu.memory_space<vmem>> -> memref<1x400x64xf32, #tpu.memory_space<vmem>>
    %dma_wait3A_275 = tpu.memref_squeeze %dma_wait3A_274 : memref<1x400x64xf32, #tpu.memory_space<vmem>> -> memref<400x64xf32, #tpu.memory_space<vmem>>
    %dma_wait3A_276 = arith.constant 24400 : i32
    %dma_wait3A_277 = tpu.memref_slice %arg5[%dma_wait3A_276] : memref<25600xi32, #tpu.memory_space<vmem>> -> memref<400xi32, #tpu.memory_space<vmem>>
    %dma_wait3A_278 = arith.constant 0 : i32
    %dma_wait3A_279 = arith.constant 0 : i32
    %dma_wait3A_280 = tpu.memref_slice %arg3[%dma_wait3A_278, %dma_wait3A_279] : memref<1000000x64xf32, #tpu.memory_space<hbm>> -> memref<1000000x64xf32, #tpu.memory_space<hbm>>
    tpu.wait_indirect_dma semaphore(%arg8 : memref<!tpu.dma_semaphore, #tpu.memory_space<semaphore_mem>>) src(%dma_wait3A_280 : memref<1000000x64xf32, #tpu.memory_space<hbm>>) dst(%dma_wait3A_275 : memref<400x64xf32, #tpu.memory_space<vmem>>)
    %add3A_281 = arith.constant 24400 : i32
    %add3A_282 = arith.addi %mul3A_2, %add3A_281 : i32
    %dma_start3A_283 = arith.constant 1 : i32
    %dma_start3A_284 = arith.constant 0 : i32
    %dma_start3A_285 = arith.constant 0 : i32
    %dma_start3A_286 = tpu.memref_slice %arg6[%dma_start3A_283, %dma_start3A_284, %dma_start3A_285] : memref<4x400x64xf32, #tpu.memory_space<vmem>> -> memref<1x400x64xf32, #tpu.memory_space<vmem>>
    %dma_start3A_287 = tpu.memref_squeeze %dma_start3A_286 : memref<1x400x64xf32, #tpu.memory_space<vmem>> -> memref<400x64xf32, #tpu.memory_space<vmem>>
    %dma_start3A_288 = arith.constant 0 : i32
    %dma_start3A_289 = tpu.memref_slice %arg4[%add3A_282, %dma_start3A_288] : memref<819200x64xf32, #tpu.memory_space<hbm>> -> memref<400x64xf32, #tpu.memory_space<hbm>>
    %dma_start3A_290 = arith.constant 0 : i32
    %dma_start3A_291 = tpu.memref_slice %arg4[%add3A_282, %dma_start3A_290] : memref<819200x64xf32, #tpu.memory_space<hbm>> -> memref<400x64xf32, #tpu.memory_space<hbm>>
    %dma_start3A_292 = arith.constant 0 : i32
    %dma_start3A_293 = arith.constant 0 : i32
    %dma_start3A_294 = tpu.memref_slice %arg6[%dma_start3A_283, %dma_start3A_292, %dma_start3A_293] : memref<4x400x64xf32, #tpu.memory_space<vmem>> -> memref<1x400x64xf32, #tpu.memory_space<vmem>>
    %dma_start3A_295 = tpu.memref_squeeze %dma_start3A_294 : memref<1x400x64xf32, #tpu.memory_space<vmem>> -> memref<400x64xf32, #tpu.memory_space<vmem>>
    tpu.enqueue_dma source(%dma_start3A_295 : memref<400x64xf32, #tpu.memory_space<vmem>>) target(%dma_start3A_291 : memref<400x64xf32, #tpu.memory_space<hbm>>) target_semaphore(%arg12 : memref<!tpu.dma_semaphore, #tpu.memory_space<semaphore_mem>>)
    %dma_wait3A_296 = arith.constant 2 : i32
    %dma_wait3A_297 = arith.constant 0 : i32
    %dma_wait3A_298 = arith.constant 0 : i32
    %dma_wait3A_299 = tpu.memref_slice %arg6[%dma_wait3A_296, %dma_wait3A_297, %dma_wait3A_298] : memref<4x400x64xf32, #tpu.memory_space<vmem>> -> memref<1x400x64xf32, #tpu.memory_space<vmem>>
    %dma_wait3A_300 = tpu.memref_squeeze %dma_wait3A_299 : memref<1x400x64xf32, #tpu.memory_space<vmem>> -> memref<400x64xf32, #tpu.memory_space<vmem>>
    %dma_wait3A_301 = arith.constant 24800 : i32
    %dma_wait3A_302 = tpu.memref_slice %arg5[%dma_wait3A_301] : memref<25600xi32, #tpu.memory_space<vmem>> -> memref<400xi32, #tpu.memory_space<vmem>>
    %dma_wait3A_303 = arith.constant 0 : i32
    %dma_wait3A_304 = arith.constant 0 : i32
    %dma_wait3A_305 = tpu.memref_slice %arg3[%dma_wait3A_303, %dma_wait3A_304] : memref<1000000x64xf32, #tpu.memory_space<hbm>> -> memref<1000000x64xf32, #tpu.memory_space<hbm>>
    tpu.wait_indirect_dma semaphore(%arg9 : memref<!tpu.dma_semaphore, #tpu.memory_space<semaphore_mem>>) src(%dma_wait3A_305 : memref<1000000x64xf32, #tpu.memory_space<hbm>>) dst(%dma_wait3A_300 : memref<400x64xf32, #tpu.memory_space<vmem>>)
    %add3A_306 = arith.constant 24800 : i32
    %add3A_307 = arith.addi %mul3A_2, %add3A_306 : i32
    %dma_start3A_308 = arith.constant 2 : i32
    %dma_start3A_309 = arith.constant 0 : i32
    %dma_start3A_310 = arith.constant 0 : i32
    %dma_start3A_311 = tpu.memref_slice %arg6[%dma_start3A_308, %dma_start3A_309, %dma_start3A_310] : memref<4x400x64xf32, #tpu.memory_space<vmem>> -> memref<1x400x64xf32, #tpu.memory_space<vmem>>
    %dma_start3A_312 = tpu.memref_squeeze %dma_start3A_311 : memref<1x400x64xf32, #tpu.memory_space<vmem>> -> memref<400x64xf32, #tpu.memory_space<vmem>>
    %dma_start3A_313 = arith.constant 0 : i32
    %dma_start3A_314 = tpu.memref_slice %arg4[%add3A_307, %dma_start3A_313] : memref<819200x64xf32, #tpu.memory_space<hbm>> -> memref<400x64xf32, #tpu.memory_space<hbm>>
    %dma_start3A_315 = arith.constant 0 : i32
    %dma_start3A_316 = tpu.memref_slice %arg4[%add3A_307, %dma_start3A_315] : memref<819200x64xf32, #tpu.memory_space<hbm>> -> memref<400x64xf32, #tpu.memory_space<hbm>>
    %dma_start3A_317 = arith.constant 0 : i32
    %dma_start3A_318 = arith.constant 0 : i32
    %dma_start3A_319 = tpu.memref_slice %arg6[%dma_start3A_308, %dma_start3A_317, %dma_start3A_318] : memref<4x400x64xf32, #tpu.memory_space<vmem>> -> memref<1x400x64xf32, #tpu.memory_space<vmem>>
    %dma_start3A_320 = tpu.memref_squeeze %dma_start3A_319 : memref<1x400x64xf32, #tpu.memory_space<vmem>> -> memref<400x64xf32, #tpu.memory_space<vmem>>
    tpu.enqueue_dma source(%dma_start3A_320 : memref<400x64xf32, #tpu.memory_space<vmem>>) target(%dma_start3A_316 : memref<400x64xf32, #tpu.memory_space<hbm>>) target_semaphore(%arg13 : memref<!tpu.dma_semaphore, #tpu.memory_space<semaphore_mem>>)
    %dma_wait3A_321 = arith.constant 3 : i32
    %dma_wait3A_322 = arith.constant 0 : i32
    %dma_wait3A_323 = arith.constant 0 : i32
    %dma_wait3A_324 = tpu.memref_slice %arg6[%dma_wait3A_321, %dma_wait3A_322, %dma_wait3A_323] : memref<4x400x64xf32, #tpu.memory_space<vmem>> -> memref<1x400x64xf32, #tpu.memory_space<vmem>>
    %dma_wait3A_325 = tpu.memref_squeeze %dma_wait3A_324 : memref<1x400x64xf32, #tpu.memory_space<vmem>> -> memref<400x64xf32, #tpu.memory_space<vmem>>
    %dma_wait3A_326 = arith.constant 25200 : i32
    %dma_wait3A_327 = tpu.memref_slice %arg5[%dma_wait3A_326] : memref<25600xi32, #tpu.memory_space<vmem>> -> memref<400xi32, #tpu.memory_space<vmem>>
    %dma_wait3A_328 = arith.constant 0 : i32
    %dma_wait3A_329 = arith.constant 0 : i32
    %dma_wait3A_330 = tpu.memref_slice %arg3[%dma_wait3A_328, %dma_wait3A_329] : memref<1000000x64xf32, #tpu.memory_space<hbm>> -> memref<1000000x64xf32, #tpu.memory_space<hbm>>
    tpu.wait_indirect_dma semaphore(%arg10 : memref<!tpu.dma_semaphore, #tpu.memory_space<semaphore_mem>>) src(%dma_wait3A_330 : memref<1000000x64xf32, #tpu.memory_space<hbm>>) dst(%dma_wait3A_325 : memref<400x64xf32, #tpu.memory_space<vmem>>)
    %add3A_331 = arith.constant 25200 : i32
    %add3A_332 = arith.addi %mul3A_2, %add3A_331 : i32
    %dma_start3A_333 = arith.constant 3 : i32
    %dma_start3A_334 = arith.constant 0 : i32
    %dma_start3A_335 = arith.constant 0 : i32
    %dma_start3A_336 = tpu.memref_slice %arg6[%dma_start3A_333, %dma_start3A_334, %dma_start3A_335] : memref<4x400x64xf32, #tpu.memory_space<vmem>> -> memref<1x400x64xf32, #tpu.memory_space<vmem>>
    %dma_start3A_337 = tpu.memref_squeeze %dma_start3A_336 : memref<1x400x64xf32, #tpu.memory_space<vmem>> -> memref<400x64xf32, #tpu.memory_space<vmem>>
    %dma_start3A_338 = arith.constant 0 : i32
    %dma_start3A_339 = tpu.memref_slice %arg4[%add3A_332, %dma_start3A_338] : memref<819200x64xf32, #tpu.memory_space<hbm>> -> memref<400x64xf32, #tpu.memory_space<hbm>>
    %dma_start3A_340 = arith.constant 0 : i32
    %dma_start3A_341 = tpu.memref_slice %arg4[%add3A_332, %dma_start3A_340] : memref<819200x64xf32, #tpu.memory_space<hbm>> -> memref<400x64xf32, #tpu.memory_space<hbm>>
    %dma_start3A_342 = arith.constant 0 : i32
    %dma_start3A_343 = arith.constant 0 : i32
    %dma_start3A_344 = tpu.memref_slice %arg6[%dma_start3A_333, %dma_start3A_342, %dma_start3A_343] : memref<4x400x64xf32, #tpu.memory_space<vmem>> -> memref<1x400x64xf32, #tpu.memory_space<vmem>>
    %dma_start3A_345 = tpu.memref_squeeze %dma_start3A_344 : memref<1x400x64xf32, #tpu.memory_space<vmem>> -> memref<400x64xf32, #tpu.memory_space<vmem>>
    tpu.enqueue_dma source(%dma_start3A_345 : memref<400x64xf32, #tpu.memory_space<vmem>>) target(%dma_start3A_341 : memref<400x64xf32, #tpu.memory_space<hbm>>) target_semaphore(%arg14 : memref<!tpu.dma_semaphore, #tpu.memory_space<semaphore_mem>>)
    %add3A_346 = arith.constant 24000 : i32
    %add3A_347 = arith.addi %mul3A_2, %add3A_346 : i32
    %dma_wait3A_348 = arith.constant 0 : i32
    %dma_wait3A_349 = arith.constant 0 : i32
    %dma_wait3A_350 = arith.constant 0 : i32
    %dma_wait3A_351 = tpu.memref_slice %arg6[%dma_wait3A_348, %dma_wait3A_349, %dma_wait3A_350] : memref<4x400x64xf32, #tpu.memory_space<vmem>> -> memref<1x400x64xf32, #tpu.memory_space<vmem>>
    %dma_wait3A_352 = tpu.memref_squeeze %dma_wait3A_351 : memref<1x400x64xf32, #tpu.memory_space<vmem>> -> memref<400x64xf32, #tpu.memory_space<vmem>>
    %dma_wait3A_353 = arith.constant 0 : i32
    %dma_wait3A_354 = tpu.memref_slice %arg4[%add3A_347, %dma_wait3A_353] : memref<819200x64xf32, #tpu.memory_space<hbm>> -> memref<400x64xf32, #tpu.memory_space<hbm>>
    %dma_wait3A_355 = arith.constant 0 : i32
    %dma_wait3A_356 = tpu.memref_slice %arg4[%add3A_347, %dma_wait3A_355] : memref<819200x64xf32, #tpu.memory_space<hbm>> -> memref<400x64xf32, #tpu.memory_space<hbm>>
    %dma_wait3A_357 = arith.constant 0 : i32
    %dma_wait3A_358 = arith.constant 0 : i32
    %dma_wait3A_359 = tpu.memref_slice %arg6[%dma_wait3A_348, %dma_wait3A_357, %dma_wait3A_358] : memref<4x400x64xf32, #tpu.memory_space<vmem>> -> memref<1x400x64xf32, #tpu.memory_space<vmem>>
    %dma_wait3A_360 = tpu.memref_squeeze %dma_wait3A_359 : memref<1x400x64xf32, #tpu.memory_space<vmem>> -> memref<400x64xf32, #tpu.memory_space<vmem>>
    tpu.wait_dma2 semaphore(%arg11 : memref<!tpu.dma_semaphore, #tpu.memory_space<semaphore_mem>>) src(%dma_wait3A_360 : memref<400x64xf32, #tpu.memory_space<vmem>>) dst(%dma_wait3A_356 : memref<400x64xf32, #tpu.memory_space<hbm>>)
    %add3A_361 = arith.constant 24400 : i32
    %add3A_362 = arith.addi %mul3A_2, %add3A_361 : i32
    %dma_wait3A_363 = arith.constant 1 : i32
    %dma_wait3A_364 = arith.constant 0 : i32
    %dma_wait3A_365 = arith.constant 0 : i32
    %dma_wait3A_366 = tpu.memref_slice %arg6[%dma_wait3A_363, %dma_wait3A_364, %dma_wait3A_365] : memref<4x400x64xf32, #tpu.memory_space<vmem>> -> memref<1x400x64xf32, #tpu.memory_space<vmem>>
    %dma_wait3A_367 = tpu.memref_squeeze %dma_wait3A_366 : memref<1x400x64xf32, #tpu.memory_space<vmem>> -> memref<400x64xf32, #tpu.memory_space<vmem>>
    %dma_wait3A_368 = arith.constant 0 : i32
    %dma_wait3A_369 = tpu.memref_slice %arg4[%add3A_362, %dma_wait3A_368] : memref<819200x64xf32, #tpu.memory_space<hbm>> -> memref<400x64xf32, #tpu.memory_space<hbm>>
    %dma_wait3A_370 = arith.constant 0 : i32
    %dma_wait3A_371 = tpu.memref_slice %arg4[%add3A_362, %dma_wait3A_370] : memref<819200x64xf32, #tpu.memory_space<hbm>> -> memref<400x64xf32, #tpu.memory_space<hbm>>
    %dma_wait3A_372 = arith.constant 0 : i32
    %dma_wait3A_373 = arith.constant 0 : i32
    %dma_wait3A_374 = tpu.memref_slice %arg6[%dma_wait3A_363, %dma_wait3A_372, %dma_wait3A_373] : memref<4x400x64xf32, #tpu.memory_space<vmem>> -> memref<1x400x64xf32, #tpu.memory_space<vmem>>
    %dma_wait3A_375 = tpu.memref_squeeze %dma_wait3A_374 : memref<1x400x64xf32, #tpu.memory_space<vmem>> -> memref<400x64xf32, #tpu.memory_space<vmem>>
    tpu.wait_dma2 semaphore(%arg12 : memref<!tpu.dma_semaphore, #tpu.memory_space<semaphore_mem>>) src(%dma_wait3A_375 : memref<400x64xf32, #tpu.memory_space<vmem>>) dst(%dma_wait3A_371 : memref<400x64xf32, #tpu.memory_space<hbm>>)
    %add3A_376 = arith.constant 24800 : i32
    %add3A_377 = arith.addi %mul3A_2, %add3A_376 : i32
    %dma_wait3A_378 = arith.constant 2 : i32
    %dma_wait3A_379 = arith.constant 0 : i32
    %dma_wait3A_380 = arith.constant 0 : i32
    %dma_wait3A_381 = tpu.memref_slice %arg6[%dma_wait3A_378, %dma_wait3A_379, %dma_wait3A_380] : memref<4x400x64xf32, #tpu.memory_space<vmem>> -> memref<1x400x64xf32, #tpu.memory_space<vmem>>
    %dma_wait3A_382 = tpu.memref_squeeze %dma_wait3A_381 : memref<1x400x64xf32, #tpu.memory_space<vmem>> -> memref<400x64xf32, #tpu.memory_space<vmem>>
    %dma_wait3A_383 = arith.constant 0 : i32
    %dma_wait3A_384 = tpu.memref_slice %arg4[%add3A_377, %dma_wait3A_383] : memref<819200x64xf32, #tpu.memory_space<hbm>> -> memref<400x64xf32, #tpu.memory_space<hbm>>
    %dma_wait3A_385 = arith.constant 0 : i32
    %dma_wait3A_386 = tpu.memref_slice %arg4[%add3A_377, %dma_wait3A_385] : memref<819200x64xf32, #tpu.memory_space<hbm>> -> memref<400x64xf32, #tpu.memory_space<hbm>>
    %dma_wait3A_387 = arith.constant 0 : i32
    %dma_wait3A_388 = arith.constant 0 : i32
    %dma_wait3A_389 = tpu.memref_slice %arg6[%dma_wait3A_378, %dma_wait3A_387, %dma_wait3A_388] : memref<4x400x64xf32, #tpu.memory_space<vmem>> -> memref<1x400x64xf32, #tpu.memory_space<vmem>>
    %dma_wait3A_390 = tpu.memref_squeeze %dma_wait3A_389 : memref<1x400x64xf32, #tpu.memory_space<vmem>> -> memref<400x64xf32, #tpu.memory_space<vmem>>
    tpu.wait_dma2 semaphore(%arg13 : memref<!tpu.dma_semaphore, #tpu.memory_space<semaphore_mem>>) src(%dma_wait3A_390 : memref<400x64xf32, #tpu.memory_space<vmem>>) dst(%dma_wait3A_386 : memref<400x64xf32, #tpu.memory_space<hbm>>)
    %add3A_391 = arith.constant 25200 : i32
    %add3A_392 = arith.addi %mul3A_2, %add3A_391 : i32
    %dma_wait3A_393 = arith.constant 3 : i32
    %dma_wait3A_394 = arith.constant 0 : i32
    %dma_wait3A_395 = arith.constant 0 : i32
    %dma_wait3A_396 = tpu.memref_slice %arg6[%dma_wait3A_393, %dma_wait3A_394, %dma_wait3A_395] : memref<4x400x64xf32, #tpu.memory_space<vmem>> -> memref<1x400x64xf32, #tpu.memory_space<vmem>>
    %dma_wait3A_397 = tpu.memref_squeeze %dma_wait3A_396 : memref<1x400x64xf32, #tpu.memory_space<vmem>> -> memref<400x64xf32, #tpu.memory_space<vmem>>
    %dma_wait3A_398 = arith.constant 0 : i32
    %dma_wait3A_399 = tpu.memref_slice %arg4[%add3A_392, %dma_wait3A_398] : memref<819200x64xf32, #tpu.memory_space<hbm>> -> memref<400x64xf32, #tpu.memory_space<hbm>>
    %dma_wait3A_400 = arith.constant 0 : i32
    %dma_wait3A_401 = tpu.memref_slice %arg4[%add3A_392, %dma_wait3A_400] : memref<819200x64xf32, #tpu.memory_space<hbm>> -> memref<400x64xf32, #tpu.memory_space<hbm>>
    %dma_wait3A_402 = arith.constant 0 : i32
    %dma_wait3A_403 = arith.constant 0 : i32
    %dma_wait3A_404 = tpu.memref_slice %arg6[%dma_wait3A_393, %dma_wait3A_402, %dma_wait3A_403] : memref<4x400x64xf32, #tpu.memory_space<vmem>> -> memref<1x400x64xf32, #tpu.memory_space<vmem>>
    %dma_wait3A_405 = tpu.memref_squeeze %dma_wait3A_404 : memref<1x400x64xf32, #tpu.memory_space<vmem>> -> memref<400x64xf32, #tpu.memory_space<vmem>>
    tpu.wait_dma2 semaphore(%arg14 : memref<!tpu.dma_semaphore, #tpu.memory_space<semaphore_mem>>) src(%dma_wait3A_405 : memref<400x64xf32, #tpu.memory_space<vmem>>) dst(%dma_wait3A_401 : memref<400x64xf32, #tpu.memory_space<hbm>>)
    return
  }
}

</mosaic_0001>

<sc_bundles>
// kernel: kernel.3.cloned.1.call-start
scs
__scs_entry_jumppad:
0x0: {  	(pc) =	sbr.rel $0x88, $3  }
0x1: {  	(tag) =	ssettag $0x0;
	lr =	simm.s32 $0x1  }
0x2: {  	[smem:$0x3F9F] =	sst lr;
	_ =	strace $0xD0000000  }
0x3: {  	_ = 	snop  }
0x4: {  	_ = 	snop  }
0x5: {  	_ = 	snop  }
0x6: {  	_ = 	snop  }
0x7: {  	_ = 	snop  }
__scs_overlays_trampoline_lowered:
0x8: {  	[smem:$0x3FAE] =	sst s0  }
0x9: {  	[smem:$0x3FAF] =	sst s1  }
0xa: {  	[smem:$0x3FB0] =	sst s2  }
0xb: {  	[smem:$0x3FB1] =	sst s3  }
0xc: {  	[smem:$0x3FB2] =	sst s4  }
0xd: {  	[smem:$0x3FB3] =	sst s5  }
0xe: {  	[smem:$0x3FB4] =	sst s6  }
0xf: {  	[smem:$0x3FB5] =	sst s7  }
0x10: {  	[smem:$0x3FB6] =	sst s8  }
0x11: {  	[smem:$0x3FB7] =	sst s9;
	s0 =	simm.s32 @!p0 $0x0  }
0x12: {  	s1 =	sld [smem:$0x3F9D];
	s0 =	simm.s32 @p0 $0x1  }
0x13: {  	[smem:$0x3FB8] =	sst s0;
	s0 =	simm.s32 @!p1 $0x0  }
0x14: {  	s2 =	sld [smem:$0x3F9C];
	s0 =	simm.s32 @p1 $0x1  }
0x15: {  	[smem:$0x3FB9] =	sst s0;
	s0 =	simm.s32 @!p2 $0x0  }
0x16: {  	s3 =	sld [smem:$0x3FDB];
	s0 =	simm.s32 @p2 $0x1  }
0x17: {  	s4 =	simm.s32 $0x1BF5;
	[smem:$0x3FBB] =	sst s0  }
0x18: {  	s0 =	sld [smem:$0x3F9E];
	_ =	swait.ge [sflag:s4], $0x0  }
0x19: {  	s7 =	sld [smem:$0x3F9F]  }
0x1a: {  	s8 =	sadd.s32 $0xFFFFE003, lr  }
0x1b: {  	s9 =	sadd.s32 $0xFFFFFEF7, lr;
	s5 =	simm.s32 $0xFFFFFFFF;
	p2 =	slt.u32 s8, $0xFFFFF086  }
0x1c: {  	p1 =	slt.u32 s9, $0xF7A;
	s5 =	simm.s32 @!p2 $0x0  }
0x1d: {  	s5 =	simm.s32 @p1 $0x1;
	p0 =	seq.s32 s7, s2  }
0x1e: {  	s7 =	smul.u32 @!p0 $0xF7A, s2;
	p2 =	seq.s32 @!p0 s5, $0x0  }
0x1f: {  	s9 =	smul.u32 $0xF7A, s1;
	s8 =	simm.s32 @!p0 $0x1BF5;
	p2 =	por !p2, p0  }
0x20: {  	[sflag:s8] =	ssyncset.s32 @!p0 $0xFFFFF086;
	s6 =	sadd.s32 @!p0 s3, s7;
	s7 =	simm.s32 @!p0 $0x108  }
0x21: {  	s3 =	sadd.s32 s3, s9;
	s6 =	sadd.s32 @!p0 $0x88, s6;
	s7 =	simm.s32 @p2 $0x1082  }
0x22: {  	[simem:s7], [sflag:s8] =	dma.local @!p0 [hbm:s6], $0xF7A  }
0x23: {  	s9 =	sor.u32 $0xD0000000, s2;
	s6 =	simm.s32 $0x108;
	_ =	swait.ge @!p0 [sflag:s8], $0x0  }
0x24: {  	s3 =	sadd.s32 $0x88, s3;
	s6 =	simm.s32 @!p1 $0x1082;
	[sflag:s4] =	ssyncset.s32 $0xFFFFF086  }
0x25: {  	[simem:s6], [sflag:s4] =	dma.local [hbm:s3], $0xF7A  }
0x26: {  	[smem:$0x3F9F] =	sst s1;
	(tag) =	ssettag s2;
	_ =	strace s9  }
0x27: {  	s1 =	sld [smem:$0x3FAF]  }
0x28: {  	s2 =	sld [smem:$0x3FB0]  }
0x29: {  	s4 =	sld [smem:$0x3FB2]  }
0x2a: {  	p0 =	seq.s32 s5, $0x0;
	s5 =	sld [smem:$0x3FB3]  }
0x2b: {  	s6 =	sld [smem:$0x3FB4]  }
0x2c: {  	s7 =	sld [smem:$0x3FB5]  }
0x2d: {  	s3 =	simm.s32 $0x108;
	s8 =	sld [smem:$0x3FB6]  }
0x2e: {  	s3 =	simm.s32 @!p0 $0x1082;
	s9 =	sld [smem:$0x3FB7]  }
0x2f: {  	lr =	sadd.s32 s0, s3;
	s0 =	sld [smem:$0x3FAE]  }
0x30: {  	s3 =	sld [smem:$0x3FB1]  }
0x31: {  	[smem:$0x3FBA] =	sst s10  }
0x32: {  	s10 =	sld [smem:$0x3FB8];
	_ =	sdelay $0x3  }
0x33: {  	p0 =	seq.s32 s10, $0x1;
	s10 =	sld [smem:$0x3FBA];
	_ =	sdelay $0x3  }
0x34: {  	[smem:$0x3FBA] =	sst s10  }
0x35: {  	s10 =	sld [smem:$0x3FB9];
	_ =	sdelay $0x3  }
0x36: {  	p1 =	seq.s32 s10, $0x1;
	s10 =	sld [smem:$0x3FBA];
	_ =	sdelay $0x3  }
0x37: {  	[smem:$0x3FBA] =	sst s10  }
0x38: {  	s10 =	sld [smem:$0x3FBB]  }
0x39: {  	_ = 	snop;
	(pc) =	sbr.ind lr, $3  }
0x3a: {  	_ = 	snop  }
0x3b: {  	_ = 	snop  }
0x3c: {  	p2 =	seq.s32 s10, $0x1;
	s10 =	sld [smem:$0x3FBA]  }
0x3d: {  	_ =	shalt  }
0x3e: {  	_ =	shalt  }
0x3f: {  	_ =	shalt  }
0x40: {  	_ =	shalt  }
0x41: {  	_ =	shalt  }
0x42: {  	_ =	shalt  }
0x43: {  	_ =	shalt  }
0x44: {  	_ =	shalt  }
0x45: {  	_ =	shalt  }
0x46: {  	_ =	shalt  }
0x47: {  	_ =	shalt  }
0x48: {  	_ =	shalt  }
0x49: {  	_ =	shalt  }
0x4a: {  	_ =	shalt  }
0x4b: {  	_ =	shalt  }
0x4c: {  	_ =	shalt  }
0x4d: {  	_ =	shalt  }
0x4e: {  	_ =	shalt  }
0x4f: {  	_ =	shalt  }
0x50: {  	_ =	shalt  }
0x51: {  	_ =	shalt  }
0x52: {  	_ =	shalt  }
0x53: {  	_ =	shalt  }
0x54: {  	_ =	shalt  }
0x55: {  	_ =	shalt  }
0x56: {  	_ =	shalt  }
0x57: {  	_ =	shalt  }
0x58: {  	_ =	shalt  }
0x59: {  	_ =	shalt  }
0x5a: {  	_ =	shalt  }
0x5b: {  	_ =	shalt  }
0x5c: {  	_ =	shalt  }
0x5d: {  	_ =	shalt  }
0x5e: {  	_ =	shalt  }
0x5f: {  	_ =	shalt  }
0x60: {  	_ =	shalt  }
0x61: {  	_ =	shalt  }
0x62: {  	_ =	shalt  }
0x63: {  	_ =	shalt  }
0x64: {  	_ =	shalt  }
0x65: {  	_ =	shalt  }
0x66: {  	_ =	shalt  }
0x67: {  	_ =	shalt  }
0x68: {  	_ =	shalt  }
0x69: {  	_ =	shalt  }
0x6a: {  	_ =	shalt  }
0x6b: {  	_ =	shalt  }
0x6c: {  	_ =	shalt  }
0x6d: {  	_ =	shalt  }
0x6e: {  	_ =	shalt  }
0x6f: {  	_ =	shalt  }
0x70: {  	_ =	shalt  }
0x71: {  	_ =	shalt  }
0x72: {  	_ =	shalt  }
0x73: {  	_ =	shalt  }
0x74: {  	_ =	shalt  }
0x75: {  	_ =	shalt  }
0x76: {  	_ =	shalt  }
0x77: {  	_ =	shalt  }
0x78: {  	_ =	shalt  }
0x79: {  	_ =	shalt  }
0x7a: {  	_ =	shalt  }
0x7b: {  	_ =	shalt  }
0x7c: {  	_ =	shalt  }
0x7d: {  	_ =	shalt  }
0x7e: {  	_ =	shalt  }
0x7f: {  	_ =	shalt  }
0x80: {  	_ =	shalt  }
0x81: {  	_ =	shalt  }
0x82: {  	_ =	shalt  }
0x83: {  	_ =	shalt  }
0x84: {  	_ =	shalt  }
0x85: {  	_ =	shalt  }
0x86: {  	_ =	shalt  }
0x87: {  	_ =	shalt  }
.Lfunc_end0:
.L_simem_size_0:
called_computation.1_lowered:
.L_overlay_start_0:
0x88: {  	s2 =	sld [smem:$0x3FD9]  }
0x89: {  	s3 =	sld [smem:$0x3FFE];
	_ =	sdelay $0x1  }
0x8a: {  	s1 =	srdreg.scid  }
0x8b: {  	s0 =	sand.u32 $0x1, s1  }
0x8c: {  	s17 =	sshll.u32 s0, $0xA;
	s2 =	sadd.s32 s3, s2  }
0x8d: {  	s2 =	sadd.s32 s2, s17  }
0x8e: {  	[smem:$0x3FC6] =	sst s2  }
0x8f: {  	_ = 	snop  }
0x90: {  	s2 =	sld [smem:$0x3FD0];
	(tm) =	ssettm $0x1  }
0x91: {  	s18 =	sld [smem:$0x3FFB];
	_ =	sdelay $0x3  }
0x92: {  	_ =	strace s18  }
0x93: {  	s3 =	sld [smem:$0x3FFC];
	_ =	sdelay $0x3  }
0x94: {  	_ =	strace s3  }
0x95: {  	s3 =	sld [smem:$0x3FFD];
	_ =	sdelay $0x3  }
0x96: {  	_ =	strace s3  }
0x97: {  	_ =	strace $0x8FFFFFFF  }
0x98: {  	s19 =	sld [smem:$0x3FDB];
	_ =	sdelay $0x1  }
0x99: {  	s4 =	simm.s32 $_scs_section_size  }
0x9a: {  	s5 =	simm.s32 $_size__tile_overlayer_lowered;
	s6 =	simm.s32 $_tile_overlayer_lowered  }
0x9b: {  	s22 =	simm.s32 $0x1BFF;
	s21 =	sshll.u32 s6, $0x1;
	s3 =	sadd.s32 s4, s19  }
0x9c: {  	s7 =	simm.s32 $0x0;
	s20 =	sshll.u32 s5, $0x1;
	s5 =	sadd.s32 s21, s3  }
0x9d: {  	[timem:s7], [sflag:s22] =	dma.local [hbm:s5], s20  }
0x9e: {  	_ =	swait.ge [sflag:s22], s20  }
0x9f: {  	s4 =	ssub.s32 $0x0, s20;
	[sflag:s22] =	ssyncset.done $0x0  }
0xa0: {  	[sflag:s22] =	ssyncadd.s32 s4;
	_ =	sdelay $0x1  }
0xa1: {  	s23 =	simm.s32 $0x1B8B  }
0xa2: {  	_ =	swait.ge [sflag:s23], $0x1  }
0xa3: {  	[sflag:s23] =	ssyncset.done $0x0  }
0xa4: {  	s25 =	simm.s32 $0x1B8E;
	s24 =	sld [smem:$0x3FFE];
	[sflag:s23] =	ssyncadd.s32 $0xFFFFFFFF  }
0xa5: {  	s26 =	simm.s32 $execute0_lowered;
	[smem:$0x3FD2] =	sst s25  }
0xa6: {  	s5 =	sshll.u32 s26, $0x1;
	_ =	strace $0x80000046;
	[dreg:$0x1] =	wrdreg $0xFFFFFFFF  }
0xa7: {  	s28 =	simm.s32 $_size_execute0_lowered;
	s3 =	sadd.s32 s3, s5;
	[dreg:$0x0] =	wrdreg $0x0  }
0xa8: {  	s5 =	sshll.u32 s28, $0x1;
	[dreg:$0x2] =	wrdreg s3  }
0xa9: {  	[dreg:$0x3] =	wrdreg s5  }
0xaa: {  	[dreg:$0x4] =	wrdreg $0xC0  }
0xab: {  	_ =	task [dreg:s7], $0x5FFFF  }
0xac: {  	[dreg:$0x1] =	wrdreg $0xFFFFFFFF  }
0xad: {  	[dreg:$0x0] =	wrdreg $0x60  }
0xae: {  	[dreg:$0x2] =	wrdreg s24  }
0xaf: {  	[dreg:$0x3] =	wrdreg s2  }
0xb0: {  	[dreg:$0x4] =	wrdreg $0x9  }
0xb1: {  	_ =	task.clear_ibuf [dreg:s7], $0x5FFFF;
	_ =	strace $0x90000046  }
0xb2: {  	s29 =	simm.s32 $0x9;
	_ =	strace $0x80000048  }
0xb3: {  	_ =	swait.ge [sflag:s29], $0x1  }
0xb4: {  	[sflag:s29] =	ssyncadd.s32 $0xFFFFFFFF  }
0xb5: {  	_ =	strace $0x90000048  }
0xb6: {  	_ =	sfence  }
0xb7: {  	s30 =	sld [smem:$0x0];
	_ =	sdelay $0x2  }
0xb8: {  	s31 =	sshll.u32 s1, $0xD;
	s1 =	sshrl.u32 s1, $0x2  }
0xb9: {  	s3 =	sand.u32 $0x4000, s31;
	s1 =	sadd.s32 s1, s30  }
0xba: {  	s0 =	sor.u32 s3, s0;
	s1 =	sshll.u32 s1, $0x11  }
0xbb: {  	s0 =	sor.u32 s1, s0  }
0xbc: {  	s0 =	sadd.s32 $0x8F2B, s0  }
0xbd: {  	[sflag:s0] =	ssyncadd.remote.s32 $0x1  }
0xbe: {  	_ =	sfence.sel $0xFFFF  }
0xbf: {  	[dreg:$0x0] =	wrdreg $0xFFFFFFFF;
	(pc) =	sbr.abs _section_cstart, $3  }
0xc0: {  	[dreg:$0x1] =	wrdreg $0xFFFFFFFF  }
0xc1: {  	_ =	task.clear_ibuf [dreg:s7], $0x2FFFF;
	_ =	strace $0x9FFFFFFF  }
0xc2: {  	(tm) =	ssettm $0x7FFFFFFF  }
0xc3: {  	_ =	shalt  }
tec
execute0_lowered:
.L_overlay_start_1:
0x0: {  	(tag) =	ssettag $0x1  }
0x1: {  	s0 =	srdreg.scid  }
0x2: {  	s9 =	stileid.u32;
	s1 =	rddreg [dreg:$0x0]  }
0x3: {  	s5 =	rddreg [dreg:$0x1];
	s28 =	simm.s32 $0x5;
	s30 =	simm.s32 $0x2  }
0x4: {  	s0 =	sand.u32 $0x1, s0;
	s2 =	sshll.u32 s9, $0x1;
	s9 =	smul.u32 $0xC800, s9  }
0x5: {  	s3 =	sor.u32 s0, s2;
	s16 =	ssub.s32 $0x2, s0;
	s0 =	smul.u32 $0x6400, s0  }
0x6: {  	s31 =	simm.s32 $0x6;
	s2 =	simm.s32 $0x0;
	s4 =	smul.u32 $0x6400, s3  }
0x7: {  	s29 =	simm.s32 $0x4;
	[smem:$0x7FF] =	sst s2;
	s6 =	smul.u32 $0x32000, s3  }
0x8: {  	s8 =	smul.u32 $0x190000, s3;
	s3 =	sadd.s32 $0xF42E00, s1;
	s17 =	sshrl.u32 s16, $0x1  }
0x9: {  	_ =	strace $0x80000047;
	s0 =	sadd.s32 s0, s9;
	s4 =	sshrl.u32 s4, $0x3  }
0xa: {  	s20 =	sshrl.u32 s8, $0x3;
	s0 =	sshll.u32 s0, $0x3;
	s7 =	sadd.s32 s4, s1  }
0xb: {  	s1 =	ssub.s32 s16, s17;
	s4 =	sadd.s32 s5, s6;
	s6 =	sadd.s32 s5, s20  }
0xc: {  	s0 =	sadd.s32 s5, s0;
	s20 =	simm.s32 $0x6400;
	s18 =	sadd.s32 $0xA00, s7  }
0xd: {  	s19 =	sadd.s32 $0xC80, s4;
	s21 =	sadd.s32 $0x1900, s4;
	[dreg:$0x3] =	wrdreg s18  }
0xe: {  	s22 =	sadd.s32 $0x2580, s6;
	s23 =	sadd.s32 $0x2EE00, s6;
	[dreg:$0x4] =	wrdreg s19  }
0xf: {  	s24 =	sadd.s32 $0x2FA80, s6;
	s25 =	sadd.s32 $0x30700, s6;
	[dreg:$0x5] =	wrdreg s21  }
0x10: {  	s26 =	sadd.s32 $0x31380, s6;
	s13 =	smax.u32 s1, $0x1;
	[dreg:$0x6] =	wrdreg s22  }
0x11: {  	s14 =	sadd.s32 $0x4B00, s0;
	s15 =	sadd.s32 $0x3E80, s0;
	[dreg:$0x7] =	wrdreg s23  }
0x12: {  	s16 =	sadd.s32 $0x3200, s0;
	s10 =	sadd.s32 $0x5780, s0;
	[dreg:$0x8] =	wrdreg s24  }
0x13: {  	s0 =	simm.s32 $0x3;
	s1 =	simm.s32 $0x8;
	[dreg:$0x9] =	wrdreg s25  }
0x14: {  	[dreg:$0xa] =	wrdreg s26;
	s18 =	simm.s32 $0x9;
	s19 =	simm.s32 $0x190  }
0x15: {  	s21 =	simm.s32 $0xC800;
	s23 =	simm.s32 $0x12C00;
	s25 =	simm.s32 $0x19000  }
0x16: {  	s26 =	simm.s32 $0x1;
	s22 =	simm.s32 $0x7;
	s24 =	simm.s32 $0x0  }
.LBB2_1:
0x17: {  	s5 =	rddreg [dreg:$0x3]  }
0x18: {  	[tilespmem:s2], [sflag:$0x9] =	stream.linear.gather [hbm4b:s5+s2], $0x6400, $0x38;
	[tilespmem:$0x1F400] =	vst v63  }
0x19: {  	_ =	swait.ge [sflag:s18], $0x6400  }
0x1a: {  	[sflag:s18] =	ssyncset.done $0x0  }
0x1b: {  	[sflag:s18] =	ssyncadd.s32 $0xFFFF9C00  }
0x1c: {  	[tilespmem:s20], [sflag:$0x1] =	stream.indirect.gather [hbm4b:s3+s19], $0x40, s2, s19, $0xb8;
	[tilespmem:$0x1F400] =	vst v63  }
0x1d: {  	_ = 	snop  }
0x1e: {  	[tilespmem:s21], [sflag:$0x2] =	stream.indirect.gather [hbm4b:s3+s19], $0x40, s19, s19, $0xb8;
	[tilespmem:$0x1F400] =	vst v63  }
0x1f: {  	s8 =	simm.s32 $0x320  }
0x20: {  	[tilespmem:s23], [sflag:$0x3] =	stream.indirect.gather [hbm4b:s3+s19], $0x40, s8, s19, $0xb8;
	[tilespmem:$0x1F400] =	vst v63  }
0x21: {  	s9 =	simm.s32 $0x4B0  }
0x22: {  	[tilespmem:s25], [sflag:$0x4] =	stream.indirect.gather [hbm4b:s3+s19], $0x40, s9, s19, $0xb8;
	[tilespmem:$0x1F400] =	vst v63  }
0x23: {  	_ =	swait.ge [sflag:s26], $0x6400  }
0x24: {  	[sflag:s26] =	ssyncset.done $0x0  }
0x25: {  	[sflag:s26] =	ssyncadd.s32 $0xFFFF9C00  }
0x26: {  	[hbm4b:s4+s2] =	stream.linear.scatter [tilespmem:s20], [sflag:$0x5], $0x6400, $0x38;
	[tilespmem:$0x1F400] =	vst v63  }
0x27: {  	_ =	swait.ge [sflag:s28], $0x6400  }
0x28: {  	[sflag:s28] =	ssyncset.done $0x0  }
0x29: {  	s11 =	simm.s32 $0x640;
	[sflag:s28] =	ssyncadd.s32 $0xFFFF9C00  }
0x2a: {  	[tilespmem:s20], [sflag:$0x1] =	stream.indirect.gather [hbm4b:s3+s19], $0x40, s11, s19, $0xb8;
	[tilespmem:$0x1F400] =	vst v63  }
0x2b: {  	_ =	swait.ge [sflag:s30], $0x6400  }
0x2c: {  	[sflag:s30] =	ssyncset.done $0x0  }
0x2d: {  	s12 =	rddreg [dreg:$0x4];
	[sflag:s30] =	ssyncadd.s32 $0xFFFF9C00  }
0x2e: {  	[hbm4b:s12+s2] =	stream.linear.scatter [tilespmem:s21], [sflag:$0x6], $0x6400, $0x38;
	[tilespmem:$0x1F400] =	vst v63  }
0x2f: {  	_ =	swait.ge [sflag:s31], $0x6400  }
0x30: {  	[sflag:s31] =	ssyncset.done $0x0  }
0x31: {  	s17 =	simm.s32 $0x7D0;
	[sflag:s31] =	ssyncadd.s32 $0xFFFF9C00  }
0x32: {  	[tilespmem:s21], [sflag:$0x2] =	stream.indirect.gather [hbm4b:s3+s19], $0x40, s17, s19, $0xb8;
	[tilespmem:$0x1F400] =	vst v63  }
0x33: {  	_ =	swait.ge [sflag:s0], $0x6400  }
0x34: {  	[sflag:s0] =	ssyncset.done $0x0  }
0x35: {  	s6 =	rddreg [dreg:$0x5];
	[sflag:s0] =	ssyncadd.s32 $0xFFFF9C00  }
0x36: {  	[hbm4b:s6+s2] =	stream.linear.scatter [tilespmem:s23], [sflag:$0x7], $0x6400, $0x38;
	[tilespmem:$0x1F400] =	vst v63  }
0x37: {  	_ =	swait.ge [sflag:s22], $0x6400  }
0x38: {  	[sflag:s22] =	ssyncset.done $0x0  }
0x39: {  	s7 =	simm.s32 $0x960;
	[sflag:s22] =	ssyncadd.s32 $0xFFFF9C00  }
0x3a: {  	[tilespmem:s23], [sflag:$0x3] =	stream.indirect.gather [hbm4b:s3+s19], $0x40, s7, s19, $0xb8;
	[tilespmem:$0x1F400] =	vst v63  }
0x3b: {  	_ =	swait.ge [sflag:s29], $0x6400  }
0x3c: {  	[sflag:s29] =	ssyncset.done $0x0  }
0x3d: {  	s8 =	rddreg [dreg:$0x6];
	[sflag:s29] =	ssyncadd.s32 $0xFFFF9C00  }
0x3e: {  	[hbm4b:s8+s2] =	stream.linear.scatter [tilespmem:s25], [sflag:$0x8], $0x6400, $0x38;
	[tilespmem:$0x1F400] =	vst v63  }
0x3f: {  	_ =	swait.ge [sflag:s1], $0x6400  }
0x40: {  	[sflag:s1] =	ssyncset.done $0x0  }
0x41: {  	s9 =	simm.s32 $0xAF0;
	[sflag:s1] =	ssyncadd.s32 $0xFFFF9C00  }
0x42: {  	[tilespmem:s25], [sflag:$0x4] =	stream.indirect.gather [hbm4b:s3+s19], $0x40, s9, s19, $0xb8;
	[tilespmem:$0x1F400] =	vst v63  }
0x43: {  	_ =	swait.ge [sflag:s26], $0x6400  }
0x44: {  	[sflag:s26] =	ssyncset.done $0x0  }
0x45: {  	[sflag:s26] =	ssyncadd.s32 $0xFFFF9C00  }
0x46: {  	[hbm4b:s16+s2] =	stream.linear.scatter [tilespmem:s20], [sflag:$0x5], $0x6400, $0x38;
	[tilespmem:$0x1F400] =	vst v63  }
0x47: {  	_ =	swait.ge [sflag:s28], $0x6400  }
0x48: {  	[sflag:s28] =	ssyncset.done $0x0  }
0x49: {  	s11 =	simm.s32 $0xC80;
	[sflag:s28] =	ssyncadd.s32 $0xFFFF9C00  }
0x4a: {  	[tilespmem:s20], [sflag:$0x1] =	stream.indirect.gather [hbm4b:s3+s19], $0x40, s11, s19, $0xb8;
	[tilespmem:$0x1F400] =	vst v63  }
0x4b: {  	_ =	swait.ge [sflag:s30], $0x6400  }
0x4c: {  	[sflag:s30] =	ssyncset.done $0x0  }
0x4d: {  	[sflag:s30] =	ssyncadd.s32 $0xFFFF9C00  }
0x4e: {  	[hbm4b:s15+s2] =	stream.linear.scatter [tilespmem:s21], [sflag:$0x6], $0x6400, $0x38;
	[tilespmem:$0x1F400] =	vst v63  }
0x4f: {  	_ =	swait.ge [sflag:s31], $0x6400  }
0x50: {  	[sflag:s31] =	ssyncset.done $0x0  }
0x51: {  	s12 =	simm.s32 $0xE10;
	[sflag:s31] =	ssyncadd.s32 $0xFFFF9C00  }
0x52: {  	[tilespmem:s21], [sflag:$0x2] =	stream.indirect.gather [hbm4b:s3+s19], $0x40, s12, s19, $0xb8;
	[tilespmem:$0x1F400] =	vst v63  }
0x53: {  	_ =	swait.ge [sflag:s0], $0x6400  }
0x54: {  	[sflag:s0] =	ssyncset.done $0x0  }
0x55: {  	[sflag:s0] =	ssyncadd.s32 $0xFFFF9C00  }
0x56: {  	[hbm4b:s14+s2] =	stream.linear.scatter [tilespmem:s23], [sflag:$0x7], $0x6400, $0x38;
	[tilespmem:$0x1F400] =	vst v63  }
0x57: {  	_ =	swait.ge [sflag:s22], $0x6400  }
0x58: {  	[sflag:s22] =	ssyncset.done $0x0  }
0x59: {  	s17 =	simm.s32 $0xFA0;
	[sflag:s22] =	ssyncadd.s32 $0xFFFF9C00  }
0x5a: {  	[tilespmem:s23], [sflag:$0x3] =	stream.indirect.gather [hbm4b:s3+s19], $0x40, s17, s19, $0xb8;
	[tilespmem:$0x1F400] =	vst v63  }
0x5b: {  	s5 =	simm.s32 $0x1900;
	s6 =	sadd.s32 $0x3200, s16;
	_ =	swait.ge [sflag:s29], $0x6400  }
0x5c: {  	s7 =	sadd.s32 $0x3200, s10;
	s8 =	sadd.s32 $0x3200, s14;
	[sflag:s29] =	ssyncset.done $0x0  }
0x5d: {  	s9 =	sadd.s32 $0x3200, s15;
	s17 =	smov.u32 s10;
	[sflag:s29] =	ssyncadd.s32 $0xFFFF9C00  }
.LBB2_2:
0x5e: {  	[hbm4b:s17+s2] =	stream.linear.scatter [tilespmem:s25], [sflag:$0x8], $0x6400, $0x38;
	[tilespmem:$0x1F400] =	vst v63  }
0x5f: {  	s11 =	smov.u32 s5;
	s17 =	smov.u32 s7  }
0x60: {  	p0 =	sne.s32 s5, $0x14500;
	s5 =	sadd.s32 $0x1900, s5;
	_ =	swait.ge [sflag:s1], $0x6400  }
0x61: {  	s11 =	sshra.s32 s11, $0x2;
	[sflag:s1] =	ssyncset.done $0x0  }
0x62: {  	s12 =	sadd.s32 $0xAF0, s11;
	[sflag:s1] =	ssyncadd.s32 $0xFFFF9C00  }
0x63: {  	[tilespmem:s25], [sflag:$0x4] =	stream.indirect.gather [hbm4b:s3+s19], $0x40, s12, s19, $0xb8;
	[tilespmem:$0x1F400] =	vst v63  }
0x64: {  	_ =	swait.ge [sflag:s26], $0x6400  }
0x65: {  	[sflag:s26] =	ssyncset.done $0x0  }
0x66: {  	[sflag:s26] =	ssyncadd.s32 $0xFFFF9C00  }
0x67: {  	[hbm4b:s6+s2] =	stream.linear.scatter [tilespmem:s20], [sflag:$0x5], $0x6400, $0x38;
	[tilespmem:$0x1F400] =	vst v63  }
0x68: {  	_ =	swait.ge [sflag:s28], $0x6400  }
0x69: {  	[sflag:s28] =	ssyncset.done $0x0  }
0x6a: {  	s12 =	sadd.s32 $0xC80, s11;
	[sflag:s28] =	ssyncadd.s32 $0xFFFF9C00  }
0x6b: {  	[tilespmem:s20], [sflag:$0x1] =	stream.indirect.gather [hbm4b:s3+s19], $0x40, s12, s19, $0xb8;
	[tilespmem:$0x1F400] =	vst v63  }
0x6c: {  	_ =	swait.ge [sflag:s30], $0x6400  }
0x6d: {  	[sflag:s30] =	ssyncset.done $0x0  }
0x6e: {  	[sflag:s30] =	ssyncadd.s32 $0xFFFF9C00  }
0x6f: {  	[hbm4b:s9+s2] =	stream.linear.scatter [tilespmem:s21], [sflag:$0x6], $0x6400, $0x38;
	[tilespmem:$0x1F400] =	vst v63  }
0x70: {  	_ =	swait.ge [sflag:s31], $0x6400  }
0x71: {  	[sflag:s31] =	ssyncset.done $0x0  }
0x72: {  	s12 =	sadd.s32 $0xE10, s11;
	[sflag:s31] =	ssyncadd.s32 $0xFFFF9C00  }
0x73: {  	[tilespmem:s21], [sflag:$0x2] =	stream.indirect.gather [hbm4b:s3+s19], $0x40, s12, s19, $0xb8;
	[tilespmem:$0x1F400] =	vst v63  }
0x74: {  	_ =	swait.ge [sflag:s0], $0x6400  }
0x75: {  	[sflag:s0] =	ssyncset.done $0x0  }
0x76: {  	[sflag:s0] =	ssyncadd.s32 $0xFFFF9C00  }
0x77: {  	[hbm4b:s8+s2] =	stream.linear.scatter [tilespmem:s23], [sflag:$0x7], $0x6400, $0x38;
	[tilespmem:$0x1F400] =	vst v63  }
0x78: {  	_ =	swait.ge [sflag:s22], $0x6400  }
0x79: {  	[sflag:s22] =	ssyncset.done $0x0  }
.Ltmp0:
0x7a: {  	s11 =	sadd.s32 $0xFA0, s11;
	[sflag:s22] =	ssyncadd.s32 $0xFFFF9C00;
	(pc) =	sbr.rel @p0 .LBB2_2-.Ltmp0, $4  }
0x7b: {  	[tilespmem:s23], [sflag:$0x3] =	stream.indirect.gather [hbm4b:s3+s19], $0x40, s11, s19, $0xb8;
	[tilespmem:$0x1F400] =	vst v63  }
0x7c: {  	_ =	swait.ge [sflag:s29], $0x6400  }
0x7d: {  	s7 =	sadd.s32 $0x3200, s7;
	s6 =	sadd.s32 $0x3200, s6;
	[sflag:s29] =	ssyncset.done $0x0  }
0x7e: {  	s9 =	sadd.s32 $0x3200, s9;
	s8 =	sadd.s32 $0x3200, s8;
	[sflag:s29] =	ssyncadd.s32 $0xFFFF9C00  }
0x7f: {  	[hbm4b:s17+s2] =	stream.linear.scatter [tilespmem:s25], [sflag:$0x8], $0x6400, $0x38;
	[tilespmem:$0x1F400] =	vst v63  }
0x80: {  	_ =	swait.ge [sflag:s1], $0x6400  }
0x81: {  	[sflag:s1] =	ssyncset.done $0x0  }
0x82: {  	s5 =	simm.s32 $0x6270;
	[sflag:s1] =	ssyncadd.s32 $0xFFFF9C00  }
0x83: {  	[tilespmem:s25], [sflag:$0x4] =	stream.indirect.gather [hbm4b:s3+s19], $0x40, s5, s19, $0xb8;
	[tilespmem:$0x1F400] =	vst v63  }
0x84: {  	_ =	swait.ge [sflag:s26], $0x6400  }
0x85: {  	[sflag:s26] =	ssyncset.done $0x0  }
0x86: {  	s9 =	rddreg [dreg:$0x7];
	[sflag:s26] =	ssyncadd.s32 $0xFFFF9C00  }
0x87: {  	[hbm4b:s9+s2] =	stream.linear.scatter [tilespmem:s20], [sflag:$0x5], $0x6400, $0x38;
	[tilespmem:$0x1F400] =	vst v63  }
0x88: {  	_ =	swait.ge [sflag:s30], $0x6400  }
0x89: {  	[sflag:s30] =	ssyncset.done $0x0  }
0x8a: {  	s11 =	rddreg [dreg:$0x8];
	[sflag:s30] =	ssyncadd.s32 $0xFFFF9C00  }
0x8b: {  	[hbm4b:s11+s2] =	stream.linear.scatter [tilespmem:s21], [sflag:$0x6], $0x6400, $0x38;
	[tilespmem:$0x1F400] =	vst v63  }
0x8c: {  	_ =	swait.ge [sflag:s0], $0x6400  }
0x8d: {  	[sflag:s0] =	ssyncset.done $0x0  }
0x8e: {  	s12 =	rddreg [dreg:$0x9];
	[sflag:s0] =	ssyncadd.s32 $0xFFFF9C00  }
0x8f: {  	[hbm4b:s12+s2] =	stream.linear.scatter [tilespmem:s23], [sflag:$0x7], $0x6400, $0x38;
	[tilespmem:$0x1F400] =	vst v63  }
0x90: {  	_ =	swait.ge [sflag:s29], $0x6400  }
0x91: {  	[sflag:s29] =	ssyncset.done $0x0  }
0x92: {  	s17 =	rddreg [dreg:$0xa];
	[sflag:s29] =	ssyncadd.s32 $0xFFFF9C00  }
0x93: {  	[hbm4b:s17+s2] =	stream.linear.scatter [tilespmem:s25], [sflag:$0x8], $0x6400, $0x38;
	[tilespmem:$0x1F400] =	vst v63  }
0x94: {  	_ =	swait.ge [sflag:s28], $0x6400  }
0x95: {  	[sflag:s28] =	ssyncset.done $0x0  }
0x96: {  	[sflag:s28] =	ssyncadd.s32 $0xFFFF9C00  }
0x97: {  	_ =	swait.ge [sflag:s31], $0x6400  }
0x98: {  	[sflag:s31] =	ssyncset.done $0x0  }
0x99: {  	s24 =	sadd.s32 $0x1, s24;
	[sflag:s31] =	ssyncadd.s32 $0xFFFF9C00  }
0x9a: {  	p0 =	sne.s32 s24, s13;
	_ =	swait.ge [sflag:s22], $0x6400  }
.Ltmp1:
0x9b: {  	[sflag:s22] =	ssyncset.done $0x0;
	(pc) =	sbr.rel @p0 .LBB2_1-.Ltmp1, $4  }
0x9c: {  	[sflag:s22] =	ssyncadd.s32 $0xFFFF9C00  }
0x9d: {  	_ =	swait.ge [sflag:s1], $0x6400  }
0x9e: {  	[sflag:s1] =	ssyncset.done $0x0  }
0x9f: {  	[sflag:s1] =	ssyncadd.s32 $0xFFFF9C00  }
0xa0: {  	_ =	sfence.sel $0x180000  }
0xa1: {  	[bflag:$0x0] =	sbarrier.arrive $0xFFFF  }
0xa2: {  	_ =	strace $0x90000047  }
0xa3: {  	s0 =	stileid.u32;
	[bflag:$0x2] =	sbarrier.arrive $0xFFFF  }
0xa4: {  	p0 =	sne.s32 s0, $0x0;
	s0 =	rddreg [dreg:$0x2]  }
0xa5: {  	s0 =	sadd.s32 @!p0 $0x100000, s0  }
0xa6: {  	[sflag:s0] =	ssyncadd.tile.s32 @!p0 $0x1;
	_ =	shalt  }
.Lfunc_end2:
_tile_overlayer_lowered:
.L_overlay_start_2:
0xa7: {  	(tag) =	ssettag $0x2  }
0xa8: {  	s0 =	rddreg [dreg:$0x0];
	s2 =	stileid.u32  }
0xa9: {  	s1 =	rddreg [dreg:$0x1];
	p0 =	sne.s32 s2, $0x0  }
0xaa: {  	s3 =	rddreg [dreg:$0x2];
	[bflag:$0x3] =	sbarrier.arrive $0xFFFF;
	s2 =	simm.s32 @!p0 $0x1C09  }
0xab: {  	[timem:s3], [sflag:s2] =	dma.local @!p0 [hbm:s0], s1  }
0xac: {  	s0 =	simm.s32 @!p0 $0x9  }
0xad: {  	_ =	swait.ge @!p0 [sflag:s0], s1  }
0xae: {  	s1 =	ssub.s32 @!p0 $0x0, s1;
	[sflag:s0] =	ssyncset.done @!p0 $0x0  }
0xaf: {  	[sflag:s0] =	ssyncadd.s32 @!p0 s1  }
0xb0: {  	[bflag:$0x3] =	sbarrier.arrive $0xFFFF  }
0xb1: {  	_ =	shalt  }

// kernel: sparse-core-data-format-call.cloned.1.call-start
scs
called_computation_lowered:
.L_overlay_start_0:
0x0: {  	s2 =	sld [smem:$0x3FD9]  }
0x1: {  	s3 =	sld [smem:$0x3FFE];
	_ =	sdelay $0x1  }
0x2: {  	s1 =	srdreg.scid  }
0x3: {  	s0 =	sand.u32 $0x1, s1  }
0x4: {  	s18 =	sshll.u32 s0, $0xA;
	s2 =	sadd.s32 s3, s2  }
0x5: {  	s2 =	sadd.s32 s2, s18  }
0x6: {  	[smem:$0x3FC6] =	sst s2  }
0x7: {  	_ = 	snop  }
0x8: {  	s2 =	sld [smem:$0x3FD0];
	(tm) =	ssettm $0x1  }
0x9: {  	s19 =	sld [smem:$0x3FFB];
	_ =	sdelay $0x3  }
0xa: {  	_ =	strace s19  }
0xb: {  	s3 =	sld [smem:$0x3FFC];
	_ =	sdelay $0x3  }
0xc: {  	_ =	strace s3  }
0xd: {  	s3 =	sld [smem:$0x3FFD];
	_ =	sdelay $0x3  }
0xe: {  	_ =	strace s3  }
0xf: {  	_ =	strace $0x8FFFFFFF  }
0x10: {  	s20 =	sld [smem:$0x3FDB];
	_ =	sdelay $0x1  }
0x11: {  	s4 =	simm.s32 $_scs_section_size  }
0x12: {  	s5 =	simm.s32 $_size__tile_overlayer_lowered;
	s6 =	simm.s32 $_tile_overlayer_lowered  }
0x13: {  	s23 =	simm.s32 $0x1BFF;
	s22 =	sshll.u32 s6, $0x1;
	s3 =	sadd.s32 s4, s20  }
0x14: {  	s7 =	simm.s32 $0x0;
	s21 =	sshll.u32 s5, $0x1;
	s5 =	sadd.s32 s22, s3  }
0x15: {  	[timem:s7], [sflag:s23] =	dma.local [hbm:s5], s21  }
0x16: {  	_ =	swait.ge [sflag:s23], s21  }
0x17: {  	s4 =	ssub.s32 $0x0, s21;
	[sflag:s23] =	ssyncset.done $0x0  }
0x18: {  	[sflag:s23] =	ssyncadd.s32 s4;
	_ =	sdelay $0x1  }
0x19: {  	s24 =	simm.s32 $0x1B8B  }
0x1a: {  	_ =	swait.ge [sflag:s24], $0x1  }
0x1b: {  	[sflag:s24] =	ssyncset.done $0x0  }
0x1c: {  	s26 =	simm.s32 $0x1B8E;
	s25 =	sld [smem:$0x3FFE];
	[sflag:s24] =	ssyncadd.s32 $0xFFFFFFFF  }
0x1d: {  	s27 =	simm.s32 $execute0_lowered;
	[smem:$0x3FD2] =	sst s26  }
0x1e: {  	s5 =	sshll.u32 s27, $0x1;
	_ =	strace $0x80000049;
	[dreg:$0x1] =	wrdreg $0xFFFFFFFF  }
0x1f: {  	s28 =	simm.s32 $_size_execute0_lowered;
	s3 =	sadd.s32 s3, s5;
	[dreg:$0x0] =	wrdreg $0x0  }
0x20: {  	s5 =	sshll.u32 s28, $0x1;
	[dreg:$0x2] =	wrdreg s3  }
0x21: {  	[dreg:$0x3] =	wrdreg s5  }
0x22: {  	[dreg:$0x4] =	wrdreg $0xC0  }
0x23: {  	_ =	task [dreg:s7], $0x5FFFF  }
0x24: {  	[dreg:$0x1] =	wrdreg $0xFFFFFFFF  }
0x25: {  	[dreg:$0x0] =	wrdreg $0x60  }
0x26: {  	[dreg:$0x2] =	wrdreg s25  }
0x27: {  	[dreg:$0x3] =	wrdreg s2  }
0x28: {  	[dreg:$0x4] =	wrdreg $0x9  }
0x29: {  	_ =	task.clear_ibuf [dreg:s7], $0x5FFFF;
	_ =	strace $0x90000049  }
0x2a: {  	s29 =	simm.s32 $0x9;
	_ =	strace $0x8000004B  }
0x2b: {  	_ =	swait.ge [sflag:s29], $0x1  }
0x2c: {  	[sflag:s29] =	ssyncadd.s32 $0xFFFFFFFF  }
0x2d: {  	_ =	strace $0x9000004B  }
0x2e: {  	_ =	sfence  }
0x2f: {  	s30 =	sld [smem:$0x0];
	_ =	sdelay $0x2  }
0x30: {  	s31 =	sshll.u32 s1, $0xD;
	s1 =	sshrl.u32 s1, $0x2  }
0x31: {  	s3 =	sand.u32 $0x4000, s31;
	s1 =	sadd.s32 s1, s30  }
0x32: {  	s0 =	sor.u32 s3, s0;
	s1 =	sshll.u32 s1, $0x11  }
0x33: {  	s0 =	sor.u32 s1, s0  }
0x34: {  	s0 =	sadd.s32 $0x8F2B, s0  }
0x35: {  	[sflag:s0] =	ssyncadd.remote.s32 $0x1  }
0x36: {  	_ =	sfence.sel $0xFFFF  }
0x37: {  	[dreg:$0x0] =	wrdreg $0xFFFFFFFF;
	(pc) =	sbr.abs _section_cstart, $3  }
0x38: {  	[dreg:$0x1] =	wrdreg $0xFFFFFFFF  }
0x39: {  	_ =	task.clear_ibuf [dreg:s7], $0x2FFFF;
	_ =	strace $0x9FFFFFFF  }
0x3a: {  	(tm) =	ssettm $0x7FFFFFFF  }
0x3b: {  	_ =	shalt  }
tec
execute0_lowered:
.L_overlay_start_1:
0x0: {  	(tag) =	ssettag $0x1  }
0x1: {  	s0 =	srdreg.scid  }
0x2: {  	s1 =	sshll.u32 s0, $0x4  }
0x3: {  	s0 =	stileid.u32;
	s1 =	sand.u32 $0x10, s1  }
0x4: {  	s1 =	sor.u32 s0, s1  }
0x5: {  	s6 =	rddreg [dreg:$0x0];
	s4 =	simm.s32 $0x1;
	s2 =	sshll.u32 s1, $0x7  }
0x6: {  	s7 =	simm.s32 $0x2;
	s12 =	simm.s32 $0x0;
	s1 =	ssub.s32 $0x1000, s2  }
0x7: {  	s8 =	simm.s32 $0x8000;
	s13 =	simm.s32 $0x0;
	s3 =	sand.u32 $0xF80, s1  }
0x8: {  	s9 =	simm.s32 $0x0;
	s5 =	sshrl.u32 s1, $0xC;
	p0 =	sne.s32 s3, $0x0  }
.Ltmp0:
0x9: {  	s1 =	rddreg [dreg:$0x2];
	s4 =	simm.s32 @!p0 $0x0;
	(pc) =	sbr.rel .LBB1_1-.Ltmp0, $4  }
0xa: {  	s11 =	simm.s32 $0x0;
	s3 =	rddreg [dreg:$0x1];
	s5 =	sadd.s32 s4, s5  }
0xb: {  	_ =	strace $0x8000004A;
	s4 =	simm.s32 $0x1;
	s5 =	smul.u32 $0xC8, s5  }
0xc: {  	s6 =	sadd.s32 $0xA00, s6;
	s10 =	smov.u32 s2;
	[sflag:s4] =	ssyncpa.u1 $0x0  }
0xd: {  	p0 =	por $0x0, $0x0;
	[sflag:s7] =	ssyncpa.u1 $0x0;
	s7 =	sor.u32 $0x1, s5  }
.LBB1_4:
0xe: {  	s16 =	sshll.u32 s13, $0x3;
	s17 =	sand.u32 $0x78, s13  }
0xf: {  	s30 =	sand.u32 $0x7E00, s13;
	s12 =	sshll.u32 s12, $0xF;
	s16 =	sand.u32 $0xC00, s16  }
0x10: {  	[tilespmem:s15+$0x810 ss:$0x81] =	vst.msk $0xffff, v2;
	s31 =	sand.u32 $0x7, s13;
	s16 =	sor.u32 s17, s16;
	s17 =	sadd.s32 s3, s30  }
0x11: {  	[tilespmem:s15+$0x1020 ss:$0x81] =	vst.msk $0xffff, v0;
	s13 =	sshll.u32 s31, $0x12;
	s12 =	sadd.s32 s12, s17;
	s16 =	sshrl.u32 s16, $0x3  }
0x12: {  	[tilespmem:s15+$0x0 ss:$0x81] =	vst.msk $0xffff, v1;
	s13 =	sor.u32 $0x400, s13;
	s12 =	sadd.s32 s16, s12  }
0x13: {  	[hbm4b:s12+s13] =	stream.strided.scatter [tilespmem:s14], [sflag:$0x2], $0x2000, s8, s13, $0x20;
	[tilespmem:$0x8080] =	vst v63  }
.LBB1_5:
0x14: {  	s14 =	sadd.s32 $0x1, s9  }
0x15: {  	s12 =	sadd.s32 $0x1000, s10;
	s16 =	smov.u32 s10;
	p2 =	sgt.s32 s14, $0xC7  }
0x16: {  	s16 =	smov.u32 @p2 s12  }
0x17: {  	s14 =	simm.s32 @p2 $0x0;
	p2 =	sgt.s32 s16, $0xFFF  }
0x18: {  	s16 =	smov.u32 @p2 s2;
	p2 =	sne.s32 s11, s7  }
.Ltmp1:
0x19: {  	p1 =	slt.u32 s11, $0x2;
	(pc) =	sbr.rel @!p2 .LBB1_6-.Ltmp1, $4  }
0x1a: {  	s15 =	simm.s32 @!p1 $0x2  }
0x1b: {  	s13 =	smov.u32 s10;
	p0 =	por !p0, !p0;
	_ =	swait.ge @!p1 [sflag:s15], $0x2000  }
0x1c: {  	s12 =	smov.u32 s9;
	[sflag:s15] =	ssyncset.done @!p1 $0x0;
	s9 =	smov.u32 s14  }
0x1d: {  	s11 =	sadd.s32 $0x1, s11;
	[sflag:s15] =	ssyncadd.s32 @!p1 $0xFFFFE000;
	s10 =	smov.u32 s16  }
.LBB1_1:
0x1e: {  	p1 =	sge.u32 s11, s5  }
0x1f: {  	s14 =	sand.u32 @!p1 $0x1FFFFFF, s9  }
0x20: {  	s15 =	smulhi.u32 @!p1 $0x147AE15, s14;
	_ =	sdelay $0x1  }
0x21: {  	s15 =	smul.u32 @!p1 $0xC8, s15  }
0x22: {  	s16 =	sxor.u32 @!p1 $0xFFFFFFFF, s11;
	s17 =	smul.u32 @!p1 $0xC80, s10  }
0x23: {  	s31 =	sadd.s32 $0xFFFFFFFF, s11;
	s16 =	sshll.u32 @!p1 s16, $0xD;
	s14 =	ssub.s32 @!p1 s14, s15  }
0x24: {  	s15 =	sand.u32 @!p1 $0x2000, s16;
	s16 =	sadd.s32 @!p1 s6, s17;
	s14 =	sshll.u32 @!p1 s14, $0x4  }
0x25: {  	s17 =	simm.s32 @!p1 $0x6400;
	s14 =	sadd.s32 @!p1 s14, s16;
	s16 =	simm.s32 @!p1 $0x40  }
0x26: {  	[tilespmem:s15], [sflag:$0x1] =	stream.strided.gather @!p1 [hbm4b:s14+s16], $0x2000, s17, s16, $0x38;
	[tilespmem:$0x8080] =	vst v63  }
0x27: {  	p1 =	sge.u32 s31, s5  }
.Ltmp2:
0x28: {  	_ = 	snop;
	(pc) =	sbr.rel @p1 .LBB1_5-.Ltmp2, $1  }
0x29: {  	_ =	sdelay $0x3  }
0x2a: {  	s14 =	simm.s32 $0x1  }
0x2b: {  	_ =	swait.ge [sflag:s4], $0x2000;
	s14 =	simm.s32 @!p0 $0x0  }
0x2c: {  	[sflag:s4] =	ssyncset.done $0x0;
	s15 =	sshll.u32 s14, $0xD  }
0x2d: {  	[sflag:s4] =	ssyncadd.s32 $0xFFFFE000;
	s18 =	sor.u32 $0x20, s15  }
0x2e: {  	s14 =	smul.u32 $0x8100, s14;
	v3 =	vld [tilespmem:s18+$0x10]  }
0x2f: {  	s30 =	sand.u32 $0x1, s11;
	v2 =	vld [tilespmem:s18+$0xFFFFFFF0]  }
0x30: {  	s15 =	smul.u32 $0x8100, s30;
	s14 =	sshrl.u32 s14, $0x2;
	v0 =	vld [tilespmem:s18+$0x0]  }
0x31: {  	v1 =	vld [tilespmem:s18+$0xFFFFFFE0];
	s16 =	sor.u32 $0x4000, s14  }
0x32: {  	s31 =	sshrl.u32 s15, $0x2;
	s15 =	sadd.s32 $0x0, s16  }
0x33: {  	s17 =	simm.s32 $0x4;
	s18 =	sadd.s32 $0x40, s18;
	s14 =	sor.u32 $0x4000, s31;
	[tilespmem:s15+$0x1830 ss:$0x81] =	vst.msk $0xffff, v3  }
.LBB1_3:
0x34: {  	v3 =	vld [tilespmem:s18+$0x10];
	p1 =	sne.s32 s17, $0x1FC;
	[tilespmem:s15+$0x810 ss:$0x81] =	vst.msk $0xffff, v2;
	s19 =	smov.u32 s17;
	s17 =	sadd.s32 $0x4, s17  }
.Ltmp3:
0x35: {  	v2 =	vld [tilespmem:s18+$0xFFFFFFF0];
	[tilespmem:s15+$0x1020 ss:$0x81] =	vst.msk $0xffff, v0;
	(pc) =	sbr.rel @p1 .LBB1_3-.Ltmp3, $4  }
0x36: {  	v0 =	vld [tilespmem:s18+$0x0];
	[tilespmem:s15+$0x0 ss:$0x81] =	vst.msk $0xffff, v1  }
0x37: {  	s15 =	sshra.s32 s19, $0x2;
	v1 =	vld [tilespmem:s18+$0xFFFFFFE0]  }
0x38: {  	s15 =	sadd.s32 s15, s16  }
0x39: {  	s18 =	sadd.s32 $0x40, s18;
	[tilespmem:s15+$0x1830 ss:$0x81] =	vst.msk $0xffff, v3  }
.Ltmp4:
0x3a: {  	_ = 	snop;
	(pc) =	sbr.rel .LBB1_4-.Ltmp4, $1  }
0x3b: {  	_ =	sdelay $0x3  }
.LBB1_6:
0x3c: {  	_ =	sfence.sel $0x180000  }
0x3d: {  	s2 =	simm.s32 $0x1;
	[bflag:$0x0] =	sbarrier.arrive $0xFFFF  }
0x3e: {  	s31 =	simm.s32 $0x2;
	[sflag:s2] =	ssyncpa.u1 $0x1  }
0x3f: {  	[sflag:s31] =	ssyncpa.u1 $0x1  }
0x40: {  	p0 =	sne.s32 s0, $0x0;
	_ =	strace $0x9000004A  }
0x41: {  	s0 =	sadd.s32 @!p0 $0x100000, s1;
	[bflag:$0x2] =	sbarrier.arrive $0xFFFF  }
0x42: {  	[sflag:s0] =	ssyncadd.tile.s32 @!p0 $0x1;
	_ =	shalt  }
.Lfunc_end1:
_tile_overlayer_lowered:
.L_overlay_start_2:
0x43: {  	(tag) =	ssettag $0x2  }
0x44: {  	s0 =	rddreg [dreg:$0x0];
	s2 =	stileid.u32  }
0x45: {  	s1 =	rddreg [dreg:$0x1];
	p0 =	sne.s32 s2, $0x0  }
0x46: {  	s3 =	rddreg [dreg:$0x2];
	[bflag:$0x3] =	sbarrier.arrive $0xFFFF;
	s2 =	simm.s32 @!p0 $0x1C01  }
0x47: {  	[timem:s3], [sflag:s2] =	dma.local @!p0 [hbm:s0], s1  }
0x48: {  	s0 =	simm.s32 @!p0 $0x1  }
0x49: {  	_ =	swait.ge @!p0 [sflag:s0], s1  }
0x4a: {  	s1 =	ssub.s32 @!p0 $0x0, s1;
	[sflag:s0] =	ssyncset.done @!p0 $0x0  }
0x4b: {  	[sflag:s0] =	ssyncadd.s32 @!p0 s1  }
0x4c: {  	[bflag:$0x3] =	sbarrier.arrive $0xFFFF  }
0x4d: {  	_ =	shalt  }

</sc_bundles>
